<compile_context>
chip_gen: v7x
topology: tpu7x:2x2x1
jax: 0.10.2.dev20260603
libtpu: 0.0.44.dev20260713+nightly
codegen_flags: <defaults>
</compile_context>

<pallas_src>
import functools
import math

import jax
import jax.numpy as jnp
from jax import lax
from jax.experimental import pallas as pl
from jax.experimental.pallas import tpu as pltpu
from jax.experimental.pallas import tpu_sc as plsc

B_BLK = 1024
N_TILE = 2048
K = 8
NEG = -3.0e38

SC_CORES = 2
SC_SUBCORES = 16
NW = SC_CORES * SC_SUBCORES


def _roll(x, d):
    d = d % x.shape[1]
    return jnp.concatenate([x[:, d:], x[:, :d]], axis=1)


def _topk_stage(q_ref, wq_ref, wk_ref, mem_ref, aw_ref, vals_ref, idx_ref,
                qt_ref, *, nt):
    n = pl.program_id(1)

    @pl.when(n == 0)
    def _init():
        qt_ref[...] = lax.dot_general(q_ref[...], wq_ref[...],
                                      (((1,), (1,)), ((), ())),
                                      preferred_element_type=jnp.float32)
        vals_ref[...] = jnp.full((B_BLK, K), NEG, jnp.float32)
        idx_ref[...] = jnp.zeros((B_BLK, K), jnp.int32)

    ktile = lax.dot_general(mem_ref[...], wk_ref[...], (((1,), (1,)), ((), ())),
                            preferred_element_type=jnp.float32)
    s = lax.dot_general(qt_ref[...], ktile, (((1,), (1,)), ((), ())),
                        preferred_element_type=jnp.float32)
    s = s / jnp.float32(math.sqrt(128.0)) + aw_ref[0, :][None, :]

    cidx = lax.broadcasted_iota(jnp.int32, (B_BLK, N_TILE), 1)
    work = s
    m = jnp.max(work, axis=1, keepdims=True)
    tv = []
    ti = []
    for j in range(K):
        eq = work == m
        a = jnp.min(jnp.where(eq, cidx, jnp.int32(2**30)),
                    axis=1, keepdims=True)
        tv.append(m)
        ti.append(n * N_TILE + a)
        if j < K - 1:
            work = jnp.where(eq, NEG, work)
            m = jnp.max(work, axis=1, keepdims=True)

    cv = jnp.concatenate([vals_ref[...]] + tv[::-1], axis=1)
    ci = jnp.concatenate([idx_ref[...]] + ti[::-1], axis=1)
    lane = lax.broadcasted_iota(jnp.int32, (B_BLK, 2 * K), 1)
    for d in (8, 4, 2, 1):
        fv, fi = _roll(cv, d), _roll(ci, d)
        bv, bi = _roll(cv, -d), _roll(ci, -d)
        is_win = (lane % (2 * d)) < d
        f_beats = (cv > fv) | ((cv == fv) & (ci <= fi))
        b_beats = (bv > cv) | ((bv == cv) & (bi <= ci))
        nv = jnp.where(is_win,
                       jnp.where(f_beats, cv, fv),
                       jnp.where(b_beats, cv, bv))
        ni = jnp.where(is_win,
                       jnp.where(f_beats, ci, fi),
                       jnp.where(b_beats, ci, bi))
        cv, ci = nv, ni
    vals_ref[...] = cv[:, :K]
    idx_ref[...] = ci[:, :K]


def _sc_gather(idx_hbm, table_hbm, out_hbm, idx_v, rows_v, sem, *, rows_per_w):
    wid = lax.axis_index("s") * SC_CORES + lax.axis_index("c")
    pltpu.sync_copy(idx_hbm.at[wid], idx_v)
    nchunk = rows_per_w // 128
    descs = []
    for j in range(nchunk):
        descs.append(pltpu.async_copy(
            table_hbm.at[idx_v.at[j]],
            rows_v.at[pl.ds(j * 128, 128)], sem))
    for d in descs:
        d.wait()
    pltpu.sync_copy(rows_v, out_hbm.at[pl.ds(wid * rows_per_w, rows_per_w)])


def _combine_stage(vals_ref, g_ref, wv_ref, out_ref):
    tv = vals_ref[...]
    m = jnp.max(tv, axis=1, keepdims=True)
    e = jnp.exp(tv - m)
    dist = e / jnp.sum(e, axis=1, keepdims=True)
    acc = None
    for k in range(K):
        v_k = lax.dot_general(g_ref[:, k, :], wv_ref[...],
                              (((1,), (1,)), ((), ())),
                              preferred_element_type=jnp.float32)
        term = dist[:, k:k + 1] * v_k
        acc = term if acc is None else acc + term
    out_ref[...] = acc


def kernel(query, memory, attention_weights, Wq, Wk, Wv, top_k):
    del top_k
    B, D = query.shape
    N, C = memory.shape
    nt = pl.cdiv(N, N_TILE)
    n_pad = nt * N_TILE - N
    mem_p = jnp.pad(memory, ((0, n_pad), (0, 0)))
    aw_p = jnp.pad(attention_weights, (0, n_pad),
                   constant_values=-1e30).reshape(1, nt * N_TILE)
    nb = B // B_BLK

    vals, idx = pl.pallas_call(
        functools.partial(_topk_stage, nt=nt),
        grid=(nb, nt),
        in_specs=[
            pl.BlockSpec((B_BLK, D), lambda b, n: (b, 0)),
            pl.BlockSpec((C, D), lambda b, n: (0, 0)),
            pl.BlockSpec((C, D), lambda b, n: (0, 0)),
            pl.BlockSpec((N_TILE, C), lambda b, n: (n, 0)),
            pl.BlockSpec((1, N_TILE), lambda b, n: (0, n)),
        ],
        out_specs=[
            pl.BlockSpec((B_BLK, K), lambda b, n: (b, 0)),
            pl.BlockSpec((B_BLK, K), lambda b, n: (b, 0)),
        ],
        out_shape=[
            jax.ShapeDtypeStruct((B, K), jnp.float32),
            jax.ShapeDtypeStruct((B, K), jnp.int32),
        ],
        scratch_shapes=[pltpu.VMEM((B_BLK, D), jnp.float32)],
        compiler_params=pltpu.CompilerParams(
            dimension_semantics=("arbitrary", "arbitrary")),
    )(query, Wq, Wk, mem_p, aw_p)

    rows_per_w = (B * K) // NW
    idx_sc = idx.reshape(NW, rows_per_w // 128, 128)
    mesh = plsc.VectorSubcoreMesh(core_axis_name="c", subcore_axis_name="s")
    gathered = pl.kernel(
        functools.partial(_sc_gather, rows_per_w=rows_per_w),
        out_type=jax.ShapeDtypeStruct((B * K, C), jnp.float32),
        mesh=mesh,
        scratch_types=[
            pltpu.VMEM((rows_per_w // 128, 128), jnp.int32),
            pltpu.VMEM((rows_per_w, C), jnp.float32),
            pltpu.SemaphoreType.DMA,
        ],
    )(idx_sc, memory)

    out = pl.pallas_call(
        _combine_stage,
        in_specs=[
            pl.BlockSpec((B, K), lambda: (0, 0)),
            pl.BlockSpec((B, K, C), lambda: (0, 0, 0)),
            pl.BlockSpec((C, C), lambda: (0, 0)),
        ],
        out_specs=pl.BlockSpec((B, C), lambda: (0, 0)),
        out_shape=jax.ShapeDtypeStruct((B, C), jnp.float32),
    )(vals, gathered.reshape(B, K, C), Wv)
    return out

# --- scband reference (transcript-rebuilt; emitter-appended) ---
"""Pipeline reference for scband-memory-81252191306481 (READ-ONLY COPY).

The authoritative reference and input builder live on the scoring server;
editing this copy changes nothing except your own understanding.
"""

import jax, jax.numpy as jnp
import numpy as np
import math

B, N, D, C = 1024, 100000, 128, 128

def setup_inputs(seed: int = 0) -> dict:
    key = jax.random.key(seed)
    ks = jax.random.split(key, 6)
    return {
        "query": jax.random.normal(ks[0], (B, D), dtype=jnp.float32),
        "memory": jax.random.normal(ks[1], (N, C), dtype=jnp.float32),
        "attention_weights": jnp.ones((N,), dtype=jnp.float32),
        "Wq": jax.random.normal(ks[2], (C, D), dtype=jnp.float32) * (1.0 / math.sqrt(D)),
        "Wk": jax.random.normal(ks[3], (C, D), dtype=jnp.float32) * (1.0 / math.sqrt(D)),
        "Wv": jax.random.normal(ks[4], (C, D), dtype=jnp.float32) * (1.0 / math.sqrt(D)),
        "top_k": 8,
    }

def reference(query, memory, attention_weights, Wq, Wk, Wv, top_k):
    # query_transform / key_transform / value_transform are bias-free Linear layers
    q_t = query @ Wq.T                                   # [B, C]
    keys = memory @ Wk.T                                 # [N, C]
    values = memory @ Wv.T                               # [N, C]
    # attention scores with additive memory attention bias
    scores = (q_t @ keys.T) / math.sqrt(C)               # [B, N]
    scores = scores + attention_weights[None, :]
    scores = scores + jnp.zeros((), scores.dtype) * top_k
    k_static = 8
    # top-k retrieval per query
    top_vals, top_idx = jax.lax.top_k(scores, k_static)  # [B, k]
    # softmax over retrieved scores, weighted sum of retrieved values
    dist = jax.nn.softmax(top_vals, axis=-1)             # [B, k]
    gathered = jnp.take(values, top_idx, axis=0)         # [B, k, C]
    out = jnp.einsum('bk,bkd->bd', dist, gathered)       # [B, C]
    return out

if __name__ == "__main__":
    import jax
    _d = setup_inputs()
    print(jax.jit(kernel)(*tuple(_d.values())))

</pallas_src>

<mosaic_0001>
#map = affine_map<(d0, d1) -> (0, 0, 0)>
#map1 = affine_map<(d0, d1) -> (0, 0)>
module attributes {stable_mosaic.version = 14 : i64} {
  func.func @_sc_gather(%arg0: i32, %arg1: i32, %arg2: memref<32x2x128xi32, #tpu.memory_space<hbm>>, %arg3: memref<100000x128xf32, #tpu.memory_space<hbm>>, %arg4: memref<8192x128xf32, #tpu.memory_space<hbm>>, %arg5: memref<2x128xi32, #tpu.memory_space<vmem>>, %arg6: memref<256x128xf32, #tpu.memory_space<vmem>>, %arg7: memref<!tpu.dma_semaphore, #tpu.memory_space<semaphore_mem>>) attributes {dimension_semantics = [#tpu.dimension_semantics<core_parallel>, #tpu.dimension_semantics<subcore_parallel>], iteration_bounds = array<i64: 2, 16>, scalar_prefetch = 0 : i64, scratch_operands = 3 : i64, tpu.core_type = #tpu.core_type<sc_vector_subcore>, window_params = [{transform_indices = #map}, {transform_indices = #map1}, {transform_indices = #map1}]} {
    %mul3A = arith.constant 2 : i32
    %mul3A_0 = arith.muli %arg1, %mul3A : i32
    %add3A = arith.addi %mul3A_0, %arg0 : i32
    "tpu.region"() ({
      %run_scoped3A = tpu.sem_alloc : memref<!tpu.dma_semaphore, #tpu.memory_space<semaphore_mem>>
      %dma_start3A_41 = arith.constant 0 : i32
      %dma_start3A_42 = arith.constant 0 : i32
      %dma_start3A_43 = tpu.memref_slice %arg2[%add3A, %dma_start3A_41, %dma_start3A_42] : memref<32x2x128xi32, #tpu.memory_space<hbm>> -> memref<1x2x128xi32, #tpu.memory_space<hbm>>
      %dma_start3A_44 = tpu.memref_squeeze %dma_start3A_43 : memref<1x2x128xi32, #tpu.memory_space<hbm>> -> memref<2x128xi32, #tpu.memory_space<hbm>>
      %dma_start3A_45 = arith.constant 0 : i32
      %dma_start3A_46 = arith.constant 0 : i32
      %dma_start3A_47 = tpu.memref_slice %arg2[%add3A, %dma_start3A_45, %dma_start3A_46] : memref<32x2x128xi32, #tpu.memory_space<hbm>> -> memref<1x2x128xi32, #tpu.memory_space<hbm>>
      %dma_start3A_48 = tpu.memref_squeeze %dma_start3A_47 : memref<1x2x128xi32, #tpu.memory_space<hbm>> -> memref<2x128xi32, #tpu.memory_space<hbm>>
      tpu.enqueue_dma source(%dma_start3A_48 : memref<2x128xi32, #tpu.memory_space<hbm>>) target(%arg5 : memref<2x128xi32, #tpu.memory_space<vmem>>) target_semaphore(%run_scoped3A : memref<!tpu.dma_semaphore, #tpu.memory_space<semaphore_mem>>)
      %dma_wait3A_49 = arith.constant 0 : i32
      %dma_wait3A_50 = arith.constant 0 : i32
      %dma_wait3A_51 = tpu.memref_slice %arg2[%add3A, %dma_wait3A_49, %dma_wait3A_50] : memref<32x2x128xi32, #tpu.memory_space<hbm>> -> memref<1x2x128xi32, #tpu.memory_space<hbm>>
      %dma_wait3A_52 = tpu.memref_squeeze %dma_wait3A_51 : memref<1x2x128xi32, #tpu.memory_space<hbm>> -> memref<2x128xi32, #tpu.memory_space<hbm>>
      %dma_wait3A_53 = arith.constant 0 : i32
      %dma_wait3A_54 = arith.constant 0 : i32
      %dma_wait3A_55 = tpu.memref_slice %arg2[%add3A, %dma_wait3A_53, %dma_wait3A_54] : memref<32x2x128xi32, #tpu.memory_space<hbm>> -> memref<1x2x128xi32, #tpu.memory_space<hbm>>
      %dma_wait3A_56 = tpu.memref_squeeze %dma_wait3A_55 : memref<1x2x128xi32, #tpu.memory_space<hbm>> -> memref<2x128xi32, #tpu.memory_space<hbm>>
      tpu.wait_dma2 semaphore(%run_scoped3A : memref<!tpu.dma_semaphore, #tpu.memory_space<semaphore_mem>>) src(%dma_wait3A_56 : memref<2x128xi32, #tpu.memory_space<hbm>>) dst(%arg5 : memref<2x128xi32, #tpu.memory_space<vmem>>)
      tpu.yield
    }) : () -> ()
    %dma_start3A = arith.constant 0 : i32
    %dma_start3A_1 = arith.constant 0 : i32
    %dma_start3A_2 = arith.constant 0 : i32
    %dma_start3A_3 = tpu.memref_slice %arg6[%dma_start3A_1, %dma_start3A_2] : memref<256x128xf32, #tpu.memory_space<vmem>> -> memref<128x128xf32, #tpu.memory_space<vmem>>
    %dma_start3A_4 = arith.constant 0 : i32
    %dma_start3A_5 = tpu.memref_slice %arg5[%dma_start3A, %dma_start3A_4] : memref<2x128xi32, #tpu.memory_space<vmem>> -> memref<1x128xi32, #tpu.memory_space<vmem>>
    %dma_start3A_6 = tpu.memref_squeeze %dma_start3A_5 : memref<1x128xi32, #tpu.memory_space<vmem>> -> memref<128xi32, #tpu.memory_space<vmem>>
    %dma_start3A_7 = arith.constant 0 : i32
    %dma_start3A_8 = arith.constant 0 : i32
    %dma_start3A_9 = tpu.memref_slice %arg3[%dma_start3A_7, %dma_start3A_8] : memref<100000x128xf32, #tpu.memory_space<hbm>> -> memref<100000x128xf32, #tpu.memory_space<hbm>>
    tpu.enqueue_indirect_dma source(%dma_start3A_9 : memref<100000x128xf32, #tpu.memory_space<hbm>>) target(%dma_start3A_3 : memref<128x128xf32, #tpu.memory_space<vmem>>) offsets(%dma_start3A_6 : memref<128xi32, #tpu.memory_space<vmem>>) semaphore(%arg7 : memref<!tpu.dma_semaphore, #tpu.memory_space<semaphore_mem>>)
    %dma_start3A_10 = arith.constant 1 : i32
    %dma_start3A_11 = arith.constant 128 : i32
    %dma_start3A_12 = arith.constant 0 : i32
    %dma_start3A_13 = tpu.memref_slice %arg6[%dma_start3A_11, %dma_start3A_12] : memref<256x128xf32, #tpu.memory_space<vmem>> -> memref<128x128xf32, #tpu.memory_space<vmem>>
    %dma_start3A_14 = arith.constant 0 : i32
    %dma_start3A_15 = tpu.memref_slice %arg5[%dma_start3A_10, %dma_start3A_14] : memref<2x128xi32, #tpu.memory_space<vmem>> -> memref<1x128xi32, #tpu.memory_space<vmem>>
    %dma_start3A_16 = tpu.memref_squeeze %dma_start3A_15 : memref<1x128xi32, #tpu.memory_space<vmem>> -> memref<128xi32, #tpu.memory_space<vmem>>
    %dma_start3A_17 = arith.constant 0 : i32
    %dma_start3A_18 = arith.constant 0 : i32
    %dma_start3A_19 = tpu.memref_slice %arg3[%dma_start3A_17, %dma_start3A_18] : memref<100000x128xf32, #tpu.memory_space<hbm>> -> memref<100000x128xf32, #tpu.memory_space<hbm>>
    tpu.enqueue_indirect_dma source(%dma_start3A_19 : memref<100000x128xf32, #tpu.memory_space<hbm>>) target(%dma_start3A_13 : memref<128x128xf32, #tpu.memory_space<vmem>>) offsets(%dma_start3A_16 : memref<128xi32, #tpu.memory_space<vmem>>) semaphore(%arg7 : memref<!tpu.dma_semaphore, #tpu.memory_space<semaphore_mem>>)
    %dma_wait3A = arith.constant 0 : i32
    %dma_wait3A_20 = arith.constant 0 : i32
    %dma_wait3A_21 = arith.constant 0 : i32
    %dma_wait3A_22 = tpu.memref_slice %arg6[%dma_wait3A_20, %dma_wait3A_21] : memref<256x128xf32, #tpu.memory_space<vmem>> -> memref<128x128xf32, #tpu.memory_space<vmem>>
    %dma_wait3A_23 = arith.constant 0 : i32
    %dma_wait3A_24 = tpu.memref_slice %arg5[%dma_wait3A, %dma_wait3A_23] : memref<2x128xi32, #tpu.memory_space<vmem>> -> memref<1x128xi32, #tpu.memory_space<vmem>>
    %dma_wait3A_25 = tpu.memref_squeeze %dma_wait3A_24 : memref<1x128xi32, #tpu.memory_space<vmem>> -> memref<128xi32, #tpu.memory_space<vmem>>
    %dma_wait3A_26 = arith.constant 0 : i32
    %dma_wait3A_27 = arith.constant 0 : i32
    %dma_wait3A_28 = tpu.memref_slice %arg3[%dma_wait3A_26, %dma_wait3A_27] : memref<100000x128xf32, #tpu.memory_space<hbm>> -> memref<100000x128xf32, #tpu.memory_space<hbm>>
    tpu.wait_indirect_dma semaphore(%arg7 : memref<!tpu.dma_semaphore, #tpu.memory_space<semaphore_mem>>) src(%dma_wait3A_28 : memref<100000x128xf32, #tpu.memory_space<hbm>>) dst(%dma_wait3A_22 : memref<128x128xf32, #tpu.memory_space<vmem>>)
    %dma_wait3A_29 = arith.constant 1 : i32
    %dma_wait3A_30 = arith.constant 128 : i32
    %dma_wait3A_31 = arith.constant 0 : i32
    %dma_wait3A_32 = tpu.memref_slice %arg6[%dma_wait3A_30, %dma_wait3A_31] : memref<256x128xf32, #tpu.memory_space<vmem>> -> memref<128x128xf32, #tpu.memory_space<vmem>>
    %dma_wait3A_33 = arith.constant 0 : i32
    %dma_wait3A_34 = tpu.memref_slice %arg5[%dma_wait3A_29, %dma_wait3A_33] : memref<2x128xi32, #tpu.memory_space<vmem>> -> memref<1x128xi32, #tpu.memory_space<vmem>>
    %dma_wait3A_35 = tpu.memref_squeeze %dma_wait3A_34 : memref<1x128xi32, #tpu.memory_space<vmem>> -> memref<128xi32, #tpu.memory_space<vmem>>
    %dma_wait3A_36 = arith.constant 0 : i32
    %dma_wait3A_37 = arith.constant 0 : i32
    %dma_wait3A_38 = tpu.memref_slice %arg3[%dma_wait3A_36, %dma_wait3A_37] : memref<100000x128xf32, #tpu.memory_space<hbm>> -> memref<100000x128xf32, #tpu.memory_space<hbm>>
    tpu.wait_indirect_dma semaphore(%arg7 : memref<!tpu.dma_semaphore, #tpu.memory_space<semaphore_mem>>) src(%dma_wait3A_38 : memref<100000x128xf32, #tpu.memory_space<hbm>>) dst(%dma_wait3A_32 : memref<128x128xf32, #tpu.memory_space<vmem>>)
    %mul3A_39 = arith.constant 256 : i32
    %mul3A_40 = arith.muli %add3A, %mul3A_39 : i32
    "tpu.region"() ({
      %run_scoped3A = tpu.sem_alloc : memref<!tpu.dma_semaphore, #tpu.memory_space<semaphore_mem>>
      %dma_start3A_41 = arith.constant 0 : i32
      %dma_start3A_42 = tpu.memref_slice %arg4[%mul3A_40, %dma_start3A_41] : memref<8192x128xf32, #tpu.memory_space<hbm>> -> memref<256x128xf32, #tpu.memory_space<hbm>>
      %dma_start3A_43 = arith.constant 0 : i32
      %dma_start3A_44 = tpu.memref_slice %arg4[%mul3A_40, %dma_start3A_43] : memref<8192x128xf32, #tpu.memory_space<hbm>> -> memref<256x128xf32, #tpu.memory_space<hbm>>
      tpu.enqueue_dma source(%arg6 : memref<256x128xf32, #tpu.memory_space<vmem>>) target(%dma_start3A_44 : memref<256x128xf32, #tpu.memory_space<hbm>>) target_semaphore(%run_scoped3A : memref<!tpu.dma_semaphore, #tpu.memory_space<semaphore_mem>>)
      %dma_wait3A_45 = arith.constant 0 : i32
      %dma_wait3A_46 = tpu.memref_slice %arg4[%mul3A_40, %dma_wait3A_45] : memref<8192x128xf32, #tpu.memory_space<hbm>> -> memref<256x128xf32, #tpu.memory_space<hbm>>
      %dma_wait3A_47 = arith.constant 0 : i32
      %dma_wait3A_48 = tpu.memref_slice %arg4[%mul3A_40, %dma_wait3A_47] : memref<8192x128xf32, #tpu.memory_space<hbm>> -> memref<256x128xf32, #tpu.memory_space<hbm>>
      tpu.wait_dma2 semaphore(%run_scoped3A : memref<!tpu.dma_semaphore, #tpu.memory_space<semaphore_mem>>) src(%arg6 : memref<256x128xf32, #tpu.memory_space<vmem>>) dst(%dma_wait3A_48 : memref<256x128xf32, #tpu.memory_space<hbm>>)
      tpu.yield
    }) : () -> ()
    return
  }
}

module attributes {stable_mosaic.version = 14 : i64} {
  func.func @_topk_stage(%arg0: i32, %arg1: i32, %arg2: memref<1024x128xf32, #tpu.memory_space<vmem>>, %arg3: memref<128x128xf32, #tpu.memory_space<vmem>>, %arg4: memref<128x128xf32, #tpu.memory_space<vmem>>, %arg5: memref<2048x128xf32, #tpu.memory_space<vmem>>, %arg6: memref<1x2048xf32, #tpu.memory_space<vmem>>, %arg7: memref<1024x8xf32, #tpu.memory_space<vmem>>, %arg8: memref<1024x8xi32, #tpu.memory_space<vmem>>, %arg9: memref<1024x128xf32, #tpu.memory_space<vmem>>) attributes {dimension_semantics = [#tpu.dimension_semantics<arbitrary>, #tpu.dimension_semantics<arbitrary>], iteration_bounds = array<i64: 1, 49>, scalar_prefetch = 0 : i64, scratch_operands = 1 : i64, tpu.core_type = #tpu.core_type<tc>, window_params = [{transform_indices = @transform_0, window_bounds = array<i64: 1024, 128>}, {pipeline_mode = #tpu.pipeline_mode<synchronous>, transform_indices = @transform_1, window_bounds = array<i64: 128, 128>}, {pipeline_mode = #tpu.pipeline_mode<synchronous>, transform_indices = @transform_2, window_bounds = array<i64: 128, 128>}, {transform_indices = @transform_3, window_bounds = array<i64: 2048, 128>}, {transform_indices = @transform_4, window_bounds = array<i64: 1, 2048>}, {transform_indices = @transform_5, window_bounds = array<i64: 1024, 8>}, {transform_indices = @transform_6, window_bounds = array<i64: 1024, 8>}]} {
    %eq3A = arith.constant 0 : i32
    %eq3A_0 = arith.cmpi eq, %arg1, %eq3A : i32
    %convert_element_type3A = arith.extui %eq3A_0 : i1 to i32
    %cond3A = arith.constant 0 : i32
    %cond3A_1 = arith.cmpi ne, %convert_element_type3A, %cond3A : i32
    scf.if %cond3A_1 {
      %get3A_375 = arith.constant 0 : index
      %get3A_376 = arith.constant 0 : index
      %get3A_377 = vector.load %arg2[%get3A_375, %get3A_376] : memref<1024x128xf32, #tpu.memory_space<vmem>>, vector<1024x128xf32>
      %get3A_378 = arith.constant 0 : index
      %get3A_379 = arith.constant 0 : index
      %get3A_380 = vector.load %arg3[%get3A_378, %get3A_379] : memref<128x128xf32, #tpu.memory_space<vmem>>, vector<128x128xf32>
      %dot_general3A_381 = arith.constant dense<0.000000e+00> : vector<1024x128xf32>
      %dot_general3A_382 = tpu.matmul %get3A_377, %get3A_380, %dot_general3A_381 {dimension_numbers = #tpu.dot_dimension_numbers<[1], [1], [0], [0], [0, 0, 1, 0], [], []>, transpose_lhs_hint = false} : vector<1024x128xf32>, vector<128x128xf32>, vector<1024x128xf32> -> vector<1024x128xf32>
      %swap3A_383 = arith.constant 0 : index
      %swap3A_384 = arith.constant 0 : index
      %swap3A_385 = vector.load %arg9[%swap3A_383, %swap3A_384] : memref<1024x128xf32, #tpu.memory_space<vmem>>, vector<1024x128xf32>
      tpu.vector_store %arg9[%swap3A_383, %swap3A_384], %dot_general3A_382 {strides = array<i32>} : memref<1024x128xf32, #tpu.memory_space<vmem>>, vector<1024x128xf32>,
      %broadcast_in_dim3A_386 = arith.constant -3.000000e+38 : f32
      %broadcast_in_dim3A_387 = vector.broadcast %broadcast_in_dim3A_386 : f32 to vector<1024x8xf32>
      %swap3A_388 = arith.constant 0 : index
      %swap3A_389 = arith.constant 0 : index
      %swap3A_390 = vector.load %arg7[%swap3A_388, %swap3A_389] : memref<1024x8xf32, #tpu.memory_space<vmem>>, vector<1024x8xf32>
      tpu.vector_store %arg7[%swap3A_388, %swap3A_389], %broadcast_in_dim3A_387 {strides = array<i32>} : memref<1024x8xf32, #tpu.memory_space<vmem>>, vector<1024x8xf32>,
      %broadcast_in_dim3A_391 = arith.constant 0 : i32
      %broadcast_in_dim3A_392 = vector.broadcast %broadcast_in_dim3A_391 : i32 to vector<1024x8xi32>
      %swap3A_393 = arith.constant 0 : index
      %swap3A_394 = arith.constant 0 : index
      %swap3A_395 = vector.load %arg8[%swap3A_393, %swap3A_394] : memref<1024x8xi32, #tpu.memory_space<vmem>>, vector<1024x8xi32>
      tpu.vector_store %arg8[%swap3A_393, %swap3A_394], %broadcast_in_dim3A_392 {strides = array<i32>} : memref<1024x8xi32, #tpu.memory_space<vmem>>, vector<1024x8xi32>,
    } else {
    }
    %get3A = arith.constant 0 : index
    %get3A_2 = arith.constant 0 : index
    %get3A_3 = vector.load %arg5[%get3A, %get3A_2] : memref<2048x128xf32, #tpu.memory_space<vmem>>, vector<2048x128xf32>
    %get3A_4 = arith.constant 0 : index
    %get3A_5 = arith.constant 0 : index
    %get3A_6 = vector.load %arg4[%get3A_4, %get3A_5] : memref<128x128xf32, #tpu.memory_space<vmem>>, vector<128x128xf32>
    %dot_general3A = arith.constant dense<0.000000e+00> : vector<2048x128xf32>
    %dot_general3A_7 = tpu.matmul %get3A_3, %get3A_6, %dot_general3A {dimension_numbers = #tpu.dot_dimension_numbers<[1], [1], [0], [0], [0, 0, 1, 0], [], []>, transpose_lhs_hint = false} : vector<2048x128xf32>, vector<128x128xf32>, vector<2048x128xf32> -> vector<2048x128xf32>
    %get3A_8 = arith.constant 0 : index
    %get3A_9 = arith.constant 0 : index
    %get3A_10 = vector.load %arg9[%get3A_8, %get3A_9] : memref<1024x128xf32, #tpu.memory_space<vmem>>, vector<1024x128xf32>
    %dot_general3A_11 = arith.constant dense<0.000000e+00> : vector<1024x2048xf32>
    %dot_general3A_12 = tpu.matmul %get3A_10, %dot_general3A_7, %dot_general3A_11 {dimension_numbers = #tpu.dot_dimension_numbers<[1], [1], [0], [0], [0, 0, 1, 0], [], []>, transpose_lhs_hint = false} : vector<1024x128xf32>, vector<2048x128xf32>, vector<1024x2048xf32> -> vector<1024x2048xf32>
    %div3A = arith.constant 11.3137083 : f32
    %div3A_13 = vector.broadcast %div3A : f32 to vector<1024x2048xf32>
    %div3A_14 = arith.divf %dot_general3A_12, %div3A_13 : vector<1024x2048xf32>
    %get3A_15 = arith.constant 0 : index
    %get3A_16 = arith.constant 0 : index
    %get3A_17 = vector.load %arg6[%get3A_15, %get3A_16] : memref<1x2048xf32, #tpu.memory_space<vmem>>, vector<1x2048xf32>
    %get3A_18 = vector.shape_cast %get3A_17 : vector<1x2048xf32> to vector<2048xf32>
    %broadcast_in_dim3A = vector.shape_cast %get3A_18 : vector<2048xf32> to vector<1x2048xf32>
    %add3A = vector.broadcast %broadcast_in_dim3A : vector<1x2048xf32> to vector<1024x2048xf32>
    %add3A_19 = arith.addf %div3A_14, %add3A : vector<1024x2048xf32>
    %iota3A = tpu.iota {dimensions = array<i32: 1>} : vector<1024x2048xi32>
    %reduce_max3A = arith.constant dense<0xFF800000> : vector<1024xf32>
    %reduce_max3A_20 = vector.multi_reduction <maximumf>, %add3A_19, %reduce_max3A [1] : vector<1024x2048xf32> to vector<1024xf32>
    %broadcast_in_dim3A_21 = vector.shape_cast %reduce_max3A_20 : vector<1024xf32> to vector<1024x1xf32>
    %eq3A_22 = vector.broadcast %broadcast_in_dim3A_21 : vector<1024x1xf32> to vector<1024x2048xf32>
    %eq3A_23 = arith.cmpf oeq, %add3A_19, %eq3A_22 : vector<1024x2048xf32>
    %jit3A = arith.constant 1073741824 : i32
    %broadcast_in_dim3A_24 = vector.broadcast %jit3A : i32 to vector<1024x2048xi32>
    %select_n3A = arith.select %eq3A_23, %iota3A, %broadcast_in_dim3A_24 : vector<1024x2048xi1>, vector<1024x2048xi32>
    %reduce_min3A = arith.constant dense<2147483647> : vector<1024xi32>
    %reduce_min3A_25 = vector.multi_reduction <minsi>, %select_n3A, %reduce_min3A [1] : vector<1024x2048xi32> to vector<1024xi32>
    %broadcast_in_dim3A_26 = vector.shape_cast %reduce_min3A_25 : vector<1024xi32> to vector<1024x1xi32>
    %mul3A = arith.constant 2048 : i32
    %mul3A_27 = arith.muli %arg1, %mul3A : i32
    %add3A_28 = vector.broadcast %mul3A_27 : i32 to vector<1024x1xi32>
    %add3A_29 = arith.addi %add3A_28, %broadcast_in_dim3A_26 : vector<1024x1xi32>
    %jit3A_30 = arith.constant -3.000000e+38 : f32
    %broadcast_in_dim3A_31 = vector.broadcast %jit3A_30 : f32 to vector<1024x2048xf32>
    %select_n3A_32 = arith.select %eq3A_23, %broadcast_in_dim3A_31, %add3A_19 : vector<1024x2048xi1>, vector<1024x2048xf32>
    %reduce_max3A_33 = arith.constant dense<0xFF800000> : vector<1024xf32>
    %reduce_max3A_34 = vector.multi_reduction <maximumf>, %select_n3A_32, %reduce_max3A_33 [1] : vector<1024x2048xf32> to vector<1024xf32>
    %broadcast_in_dim3A_35 = vector.shape_cast %reduce_max3A_34 : vector<1024xf32> to vector<1024x1xf32>
    %eq3A_36 = vector.broadcast %broadcast_in_dim3A_35 : vector<1024x1xf32> to vector<1024x2048xf32>
    %eq3A_37 = arith.cmpf oeq, %select_n3A_32, %eq3A_36 : vector<1024x2048xf32>
    %jit3A_38 = arith.constant 1073741824 : i32
    %broadcast_in_dim3A_39 = vector.broadcast %jit3A_38 : i32 to vector<1024x2048xi32>
    %select_n3A_40 = arith.select %eq3A_37, %iota3A, %broadcast_in_dim3A_39 : vector<1024x2048xi1>, vector<1024x2048xi32>
    %reduce_min3A_41 = arith.constant dense<2147483647> : vector<1024xi32>
    %reduce_min3A_42 = vector.multi_reduction <minsi>, %select_n3A_40, %reduce_min3A_41 [1] : vector<1024x2048xi32> to vector<1024xi32>
    %broadcast_in_dim3A_43 = vector.shape_cast %reduce_min3A_42 : vector<1024xi32> to vector<1024x1xi32>
    %mul3A_44 = arith.constant 2048 : i32
    %mul3A_45 = arith.muli %arg1, %mul3A_44 : i32
    %add3A_46 = vector.broadcast %mul3A_45 : i32 to vector<1024x1xi32>
    %add3A_47 = arith.addi %add3A_46, %broadcast_in_dim3A_43 : vector<1024x1xi32>
    %jit3A_48 = arith.constant -3.000000e+38 : f32
    %broadcast_in_dim3A_49 = vector.broadcast %jit3A_48 : f32 to vector<1024x2048xf32>
    %select_n3A_50 = arith.select %eq3A_37, %broadcast_in_dim3A_49, %select_n3A_32 : vector<1024x2048xi1>, vector<1024x2048xf32>
    %reduce_max3A_51 = arith.constant dense<0xFF800000> : vector<1024xf32>
    %reduce_max3A_52 = vector.multi_reduction <maximumf>, %select_n3A_50, %reduce_max3A_51 [1] : vector<1024x2048xf32> to vector<1024xf32>
    %broadcast_in_dim3A_53 = vector.shape_cast %reduce_max3A_52 : vector<1024xf32> to vector<1024x1xf32>
    %eq3A_54 = vector.broadcast %broadcast_in_dim3A_53 : vector<1024x1xf32> to vector<1024x2048xf32>
    %eq3A_55 = arith.cmpf oeq, %select_n3A_50, %eq3A_54 : vector<1024x2048xf32>
    %jit3A_56 = arith.constant 1073741824 : i32
    %broadcast_in_dim3A_57 = vector.broadcast %jit3A_56 : i32 to vector<1024x2048xi32>
    %select_n3A_58 = arith.select %eq3A_55, %iota3A, %broadcast_in_dim3A_57 : vector<1024x2048xi1>, vector<1024x2048xi32>
    %reduce_min3A_59 = arith.constant dense<2147483647> : vector<1024xi32>
    %reduce_min3A_60 = vector.multi_reduction <minsi>, %select_n3A_58, %reduce_min3A_59 [1] : vector<1024x2048xi32> to vector<1024xi32>
    %broadcast_in_dim3A_61 = vector.shape_cast %reduce_min3A_60 : vector<1024xi32> to vector<1024x1xi32>
    %mul3A_62 = arith.constant 2048 : i32
    %mul3A_63 = arith.muli %arg1, %mul3A_62 : i32
    %add3A_64 = vector.broadcast %mul3A_63 : i32 to vector<1024x1xi32>
    %add3A_65 = arith.addi %add3A_64, %broadcast_in_dim3A_61 : vector<1024x1xi32>
    %jit3A_66 = arith.constant -3.000000e+38 : f32
    %broadcast_in_dim3A_67 = vector.broadcast %jit3A_66 : f32 to vector<1024x2048xf32>
    %select_n3A_68 = arith.select %eq3A_55, %broadcast_in_dim3A_67, %select_n3A_50 : vector<1024x2048xi1>, vector<1024x2048xf32>
    %reduce_max3A_69 = arith.constant dense<0xFF800000> : vector<1024xf32>
    %reduce_max3A_70 = vector.multi_reduction <maximumf>, %select_n3A_68, %reduce_max3A_69 [1] : vector<1024x2048xf32> to vector<1024xf32>
    %broadcast_in_dim3A_71 = vector.shape_cast %reduce_max3A_70 : vector<1024xf32> to vector<1024x1xf32>
    %eq3A_72 = vector.broadcast %broadcast_in_dim3A_71 : vector<1024x1xf32> to vector<1024x2048xf32>
    %eq3A_73 = arith.cmpf oeq, %select_n3A_68, %eq3A_72 : vector<1024x2048xf32>
    %jit3A_74 = arith.constant 1073741824 : i32
    %broadcast_in_dim3A_75 = vector.broadcast %jit3A_74 : i32 to vector<1024x2048xi32>
    %select_n3A_76 = arith.select %eq3A_73, %iota3A, %broadcast_in_dim3A_75 : vector<1024x2048xi1>, vector<1024x2048xi32>
    %reduce_min3A_77 = arith.constant dense<2147483647> : vector<1024xi32>
    %reduce_min3A_78 = vector.multi_reduction <minsi>, %select_n3A_76, %reduce_min3A_77 [1] : vector<1024x2048xi32> to vector<1024xi32>
    %broadcast_in_dim3A_79 = vector.shape_cast %reduce_min3A_78 : vector<1024xi32> to vector<1024x1xi32>
    %mul3A_80 = arith.constant 2048 : i32
    %mul3A_81 = arith.muli %arg1, %mul3A_80 : i32
    %add3A_82 = vector.broadcast %mul3A_81 : i32 to vector<1024x1xi32>
    %add3A_83 = arith.addi %add3A_82, %broadcast_in_dim3A_79 : vector<1024x1xi32>
    %jit3A_84 = arith.constant -3.000000e+38 : f32
    %broadcast_in_dim3A_85 = vector.broadcast %jit3A_84 : f32 to vector<1024x2048xf32>
    %select_n3A_86 = arith.select %eq3A_73, %broadcast_in_dim3A_85, %select_n3A_68 : vector<1024x2048xi1>, vector<1024x2048xf32>
    %reduce_max3A_87 = arith.constant dense<0xFF800000> : vector<1024xf32>
    %reduce_max3A_88 = vector.multi_reduction <maximumf>, %select_n3A_86, %reduce_max3A_87 [1] : vector<1024x2048xf32> to vector<1024xf32>
    %broadcast_in_dim3A_89 = vector.shape_cast %reduce_max3A_88 : vector<1024xf32> to vector<1024x1xf32>
    %eq3A_90 = vector.broadcast %broadcast_in_dim3A_89 : vector<1024x1xf32> to vector<1024x2048xf32>
    %eq3A_91 = arith.cmpf oeq, %select_n3A_86, %eq3A_90 : vector<1024x2048xf32>
    %jit3A_92 = arith.constant 1073741824 : i32
    %broadcast_in_dim3A_93 = vector.broadcast %jit3A_92 : i32 to vector<1024x2048xi32>
    %select_n3A_94 = arith.select %eq3A_91, %iota3A, %broadcast_in_dim3A_93 : vector<1024x2048xi1>, vector<1024x2048xi32>
    %reduce_min3A_95 = arith.constant dense<2147483647> : vector<1024xi32>
    %reduce_min3A_96 = vector.multi_reduction <minsi>, %select_n3A_94, %reduce_min3A_95 [1] : vector<1024x2048xi32> to vector<1024xi32>
    %broadcast_in_dim3A_97 = vector.shape_cast %reduce_min3A_96 : vector<1024xi32> to vector<1024x1xi32>
    %mul3A_98 = arith.constant 2048 : i32
    %mul3A_99 = arith.muli %arg1, %mul3A_98 : i32
    %add3A_100 = vector.broadcast %mul3A_99 : i32 to vector<1024x1xi32>
    %add3A_101 = arith.addi %add3A_100, %broadcast_in_dim3A_97 : vector<1024x1xi32>
    %jit3A_102 = arith.constant -3.000000e+38 : f32
    %broadcast_in_dim3A_103 = vector.broadcast %jit3A_102 : f32 to vector<1024x2048xf32>
    %select_n3A_104 = arith.select %eq3A_91, %broadcast_in_dim3A_103, %select_n3A_86 : vector<1024x2048xi1>, vector<1024x2048xf32>
    %reduce_max3A_105 = arith.constant dense<0xFF800000> : vector<1024xf32>
    %reduce_max3A_106 = vector.multi_reduction <maximumf>, %select_n3A_104, %reduce_max3A_105 [1] : vector<1024x2048xf32> to vector<1024xf32>
    %broadcast_in_dim3A_107 = vector.shape_cast %reduce_max3A_106 : vector<1024xf32> to vector<1024x1xf32>
    %eq3A_108 = vector.broadcast %broadcast_in_dim3A_107 : vector<1024x1xf32> to vector<1024x2048xf32>
    %eq3A_109 = arith.cmpf oeq, %select_n3A_104, %eq3A_108 : vector<1024x2048xf32>
    %jit3A_110 = arith.constant 1073741824 : i32
    %broadcast_in_dim3A_111 = vector.broadcast %jit3A_110 : i32 to vector<1024x2048xi32>
    %select_n3A_112 = arith.select %eq3A_109, %iota3A, %broadcast_in_dim3A_111 : vector<1024x2048xi1>, vector<1024x2048xi32>
    %reduce_min3A_113 = arith.constant dense<2147483647> : vector<1024xi32>
    %reduce_min3A_114 = vector.multi_reduction <minsi>, %select_n3A_112, %reduce_min3A_113 [1] : vector<1024x2048xi32> to vector<1024xi32>
    %broadcast_in_dim3A_115 = vector.shape_cast %reduce_min3A_114 : vector<1024xi32> to vector<1024x1xi32>
    %mul3A_116 = arith.constant 2048 : i32
    %mul3A_117 = arith.muli %arg1, %mul3A_116 : i32
    %add3A_118 = vector.broadcast %mul3A_117 : i32 to vector<1024x1xi32>
    %add3A_119 = arith.addi %add3A_118, %broadcast_in_dim3A_115 : vector<1024x1xi32>
    %jit3A_120 = arith.constant -3.000000e+38 : f32
    %broadcast_in_dim3A_121 = vector.broadcast %jit3A_120 : f32 to vector<1024x2048xf32>
    %select_n3A_122 = arith.select %eq3A_109, %broadcast_in_dim3A_121, %select_n3A_104 : vector<1024x2048xi1>, vector<1024x2048xf32>
    %reduce_max3A_123 = arith.constant dense<0xFF800000> : vector<1024xf32>
    %reduce_max3A_124 = vector.multi_reduction <maximumf>, %select_n3A_122, %reduce_max3A_123 [1] : vector<1024x2048xf32> to vector<1024xf32>
    %broadcast_in_dim3A_125 = vector.shape_cast %reduce_max3A_124 : vector<1024xf32> to vector<1024x1xf32>
    %eq3A_126 = vector.broadcast %broadcast_in_dim3A_125 : vector<1024x1xf32> to vector<1024x2048xf32>
    %eq3A_127 = arith.cmpf oeq, %select_n3A_122, %eq3A_126 : vector<1024x2048xf32>
    %jit3A_128 = arith.constant 1073741824 : i32
    %broadcast_in_dim3A_129 = vector.broadcast %jit3A_128 : i32 to vector<1024x2048xi32>
    %select_n3A_130 = arith.select %eq3A_127, %iota3A, %broadcast_in_dim3A_129 : vector<1024x2048xi1>, vector<1024x2048xi32>
    %reduce_min3A_131 = arith.constant dense<2147483647> : vector<1024xi32>
    %reduce_min3A_132 = vector.multi_reduction <minsi>, %select_n3A_130, %reduce_min3A_131 [1] : vector<1024x2048xi32> to vector<1024xi32>
    %broadcast_in_dim3A_133 = vector.shape_cast %reduce_min3A_132 : vector<1024xi32> to vector<1024x1xi32>
    %mul3A_134 = arith.constant 2048 : i32
    %mul3A_135 = arith.muli %arg1, %mul3A_134 : i32
    %add3A_136 = vector.broadcast %mul3A_135 : i32 to vector<1024x1xi32>
    %add3A_137 = arith.addi %add3A_136, %broadcast_in_dim3A_133 : vector<1024x1xi32>
    %jit3A_138 = arith.constant -3.000000e+38 : f32
    %broadcast_in_dim3A_139 = vector.broadcast %jit3A_138 : f32 to vector<1024x2048xf32>
    %select_n3A_140 = arith.select %eq3A_127, %broadcast_in_dim3A_139, %select_n3A_122 : vector<1024x2048xi1>, vector<1024x2048xf32>
    %reduce_max3A_141 = arith.constant dense<0xFF800000> : vector<1024xf32>
    %reduce_max3A_142 = vector.multi_reduction <maximumf>, %select_n3A_140, %reduce_max3A_141 [1] : vector<1024x2048xf32> to vector<1024xf32>
    %broadcast_in_dim3A_143 = vector.shape_cast %reduce_max3A_142 : vector<1024xf32> to vector<1024x1xf32>
    %eq3A_144 = vector.broadcast %broadcast_in_dim3A_143 : vector<1024x1xf32> to vector<1024x2048xf32>
    %eq3A_145 = arith.cmpf oeq, %select_n3A_140, %eq3A_144 : vector<1024x2048xf32>
    %jit3A_146 = arith.constant 1073741824 : i32
    %broadcast_in_dim3A_147 = vector.broadcast %jit3A_146 : i32 to vector<1024x2048xi32>
    %select_n3A_148 = arith.select %eq3A_145, %iota3A, %broadcast_in_dim3A_147 : vector<1024x2048xi1>, vector<1024x2048xi32>
    %reduce_min3A_149 = arith.constant dense<2147483647> : vector<1024xi32>
    %reduce_min3A_150 = vector.multi_reduction <minsi>, %select_n3A_148, %reduce_min3A_149 [1] : vector<1024x2048xi32> to vector<1024xi32>
    %broadcast_in_dim3A_151 = vector.shape_cast %reduce_min3A_150 : vector<1024xi32> to vector<1024x1xi32>
    %mul3A_152 = arith.constant 2048 : i32
    %mul3A_153 = arith.muli %arg1, %mul3A_152 : i32
    %add3A_154 = vector.broadcast %mul3A_153 : i32 to vector<1024x1xi32>
    %add3A_155 = arith.addi %add3A_154, %broadcast_in_dim3A_151 : vector<1024x1xi32>
    %get3A_156 = arith.constant 0 : index
    %get3A_157 = arith.constant 0 : index
    %get3A_158 = vector.load %arg7[%get3A_156, %get3A_157] : memref<1024x8xf32, #tpu.memory_space<vmem>>, vector<1024x8xf32>
    %concatenate3A = tpu.concatenate %get3A_158, %broadcast_in_dim3A_143, %broadcast_in_dim3A_125, %broadcast_in_dim3A_107, %broadcast_in_dim3A_89, %broadcast_in_dim3A_71, %broadcast_in_dim3A_53, %broadcast_in_dim3A_35, %broadcast_in_dim3A_21 in 1 : vector<1024x8xf32>, vector<1024x1xf32>, vector<1024x1xf32>, vector<1024x1xf32>, vector<1024x1xf32>, vector<1024x1xf32>, vector<1024x1xf32>, vector<1024x1xf32>, vector<1024x1xf32> -> vector<1024x16xf32>
    %get3A_159 = arith.constant 0 : index
    %get3A_160 = arith.constant 0 : index
    %get3A_161 = vector.load %arg8[%get3A_159, %get3A_160] : memref<1024x8xi32, #tpu.memory_space<vmem>>, vector<1024x8xi32>
    %concatenate3A_162 = tpu.concatenate %get3A_161, %add3A_155, %add3A_137, %add3A_119, %add3A_101, %add3A_83, %add3A_65, %add3A_47, %add3A_29 in 1 : vector<1024x8xi32>, vector<1024x1xi32>, vector<1024x1xi32>, vector<1024x1xi32>, vector<1024x1xi32>, vector<1024x1xi32>, vector<1024x1xi32>, vector<1024x1xi32>, vector<1024x1xi32> -> vector<1024x16xi32>
    %iota3A_163 = tpu.iota {dimensions = array<i32: 1>} : vector<1024x16xi32>
    %slice3A = vector.extract_strided_slice %concatenate3A {offsets = [0, 8], sizes = [1024, 8], strides = [1, 1]} : vector<1024x16xf32> to vector<1024x8xf32>
    %slice3A_164 = vector.extract_strided_slice %concatenate3A {offsets = [0, 0], sizes = [1024, 8], strides = [1, 1]} : vector<1024x16xf32> to vector<1024x8xf32>
    %concatenate3A_165 = tpu.concatenate %slice3A, %slice3A_164 in 1 : vector<1024x8xf32>, vector<1024x8xf32> -> vector<1024x16xf32>
    %slice3A_166 = vector.extract_strided_slice %concatenate3A_162 {offsets = [0, 8], sizes = [1024, 8], strides = [1, 1]} : vector<1024x16xi32> to vector<1024x8xi32>
    %slice3A_167 = vector.extract_strided_slice %concatenate3A_162 {offsets = [0, 0], sizes = [1024, 8], strides = [1, 1]} : vector<1024x16xi32> to vector<1024x8xi32>
    %concatenate3A_168 = tpu.concatenate %slice3A_166, %slice3A_167 in 1 : vector<1024x8xi32>, vector<1024x8xi32> -> vector<1024x16xi32>
    %slice3A_169 = vector.extract_strided_slice %concatenate3A {offsets = [0, 8], sizes = [1024, 8], strides = [1, 1]} : vector<1024x16xf32> to vector<1024x8xf32>
    %slice3A_170 = vector.extract_strided_slice %concatenate3A {offsets = [0, 0], sizes = [1024, 8], strides = [1, 1]} : vector<1024x16xf32> to vector<1024x8xf32>
    %concatenate3A_171 = tpu.concatenate %slice3A_169, %slice3A_170 in 1 : vector<1024x8xf32>, vector<1024x8xf32> -> vector<1024x16xf32>
    %slice3A_172 = vector.extract_strided_slice %concatenate3A_162 {offsets = [0, 8], sizes = [1024, 8], strides = [1, 1]} : vector<1024x16xi32> to vector<1024x8xi32>
    %slice3A_173 = vector.extract_strided_slice %concatenate3A_162 {offsets = [0, 0], sizes = [1024, 8], strides = [1, 1]} : vector<1024x16xi32> to vector<1024x8xi32>
    %concatenate3A_174 = tpu.concatenate %slice3A_172, %slice3A_173 in 1 : vector<1024x8xi32>, vector<1024x8xi32> -> vector<1024x16xi32>
    %jit3A_175 = arith.constant 16 : i32
    %eq3A_176 = arith.constant 0 : i32
    %eq3A_177 = arith.cmpi eq, %jit3A_175, %eq3A_176 : i32
    %jit3A_178 = arith.constant 1 : i32
    %select_n3A_179 = arith.select %eq3A_177, %jit3A_178, %jit3A_175 : i32
    %rem3A = vector.broadcast %select_n3A_179 : i32 to vector<1024x16xi32>
    %rem3A_180 = arith.remsi %iota3A_163, %rem3A : vector<1024x16xi32>
    %ne3A = arith.constant 0 : i32
    %ne3A_181 = vector.broadcast %ne3A : i32 to vector<1024x16xi32>
    %ne3A_182 = arith.cmpi ne, %rem3A_180, %ne3A_181 : vector<1024x16xi32>
    %lt3A = arith.constant 0 : i32
    %lt3A_183 = vector.broadcast %lt3A : i32 to vector<1024x16xi32>
    %lt3A_184 = arith.cmpi slt, %rem3A_180, %lt3A_183 : vector<1024x16xi32>
    %lt3A_185 = arith.constant 0 : i32
    %lt3A_186 = arith.cmpi slt, %select_n3A_179, %lt3A_185 : i32
    %ne3A_187 = vector.broadcast %lt3A_186 : i1 to vector<1024x16xi1>
    %ne3A_188 = vector.broadcast %ne3A_187 : vector<1024x16xi1> to vector<1024x16xi1>
    %ne3A_189 = arith.xori %lt3A_184, %ne3A_188 : vector<1024x16xi1>
    %and3A = arith.andi %ne3A_189, %ne3A_182 : vector<1024x16xi1>
    %add3A_190 = vector.broadcast %select_n3A_179 : i32 to vector<1024x16xi32>
    %add3A_191 = arith.addi %rem3A_180, %add3A_190 : vector<1024x16xi32>
    %select_n3A_192 = arith.select %and3A, %add3A_191, %rem3A_180 : vector<1024x16xi1>, vector<1024x16xi32>
    %lt3A_193 = arith.constant 8 : i32
    %lt3A_194 = vector.broadcast %lt3A_193 : i32 to vector<1024x16xi32>
    %lt3A_195 = arith.cmpi slt, %select_n3A_192, %lt3A_194 : vector<1024x16xi32>
    %gt3A = arith.cmpf ogt, %concatenate3A, %concatenate3A_165 : vector<1024x16xf32>
    %eq3A_196 = arith.cmpf oeq, %concatenate3A, %concatenate3A_165 : vector<1024x16xf32>
    %le3A = arith.cmpi sle, %concatenate3A_162, %concatenate3A_168 : vector<1024x16xi32>
    %and3A_197 = arith.andi %eq3A_196, %le3A : vector<1024x16xi1>
    %or3A = arith.ori %gt3A, %and3A_197 : vector<1024x16xi1>
    %gt3A_198 = arith.cmpf ogt, %concatenate3A_171, %concatenate3A : vector<1024x16xf32>
    %eq3A_199 = arith.cmpf oeq, %concatenate3A_171, %concatenate3A : vector<1024x16xf32>
    %le3A_200 = arith.cmpi sle, %concatenate3A_174, %concatenate3A_162 : vector<1024x16xi32>
    %and3A_201 = arith.andi %eq3A_199, %le3A_200 : vector<1024x16xi1>
    %or3A_202 = arith.ori %gt3A_198, %and3A_201 : vector<1024x16xi1>
    %select_n3A_203 = arith.select %or3A, %concatenate3A, %concatenate3A_165 : vector<1024x16xi1>, vector<1024x16xf32>
    %select_n3A_204 = arith.select %or3A_202, %concatenate3A, %concatenate3A_171 : vector<1024x16xi1>, vector<1024x16xf32>
    %select_n3A_205 = arith.select %lt3A_195, %select_n3A_203, %select_n3A_204 : vector<1024x16xi1>, vector<1024x16xf32>
    %select_n3A_206 = arith.select %or3A, %concatenate3A_162, %concatenate3A_168 : vector<1024x16xi1>, vector<1024x16xi32>
    %select_n3A_207 = arith.select %or3A_202, %concatenate3A_162, %concatenate3A_174 : vector<1024x16xi1>, vector<1024x16xi32>
    %select_n3A_208 = arith.select %lt3A_195, %select_n3A_206, %select_n3A_207 : vector<1024x16xi1>, vector<1024x16xi32>
    %slice3A_209 = vector.extract_strided_slice %select_n3A_205 {offsets = [0, 4], sizes = [1024, 12], strides = [1, 1]} : vector<1024x16xf32> to vector<1024x12xf32>
    %slice3A_210 = vector.extract_strided_slice %select_n3A_205 {offsets = [0, 0], sizes = [1024, 4], strides = [1, 1]} : vector<1024x16xf32> to vector<1024x4xf32>
    %concatenate3A_211 = tpu.concatenate %slice3A_209, %slice3A_210 in 1 : vector<1024x12xf32>, vector<1024x4xf32> -> vector<1024x16xf32>
    %slice3A_212 = vector.extract_strided_slice %select_n3A_208 {offsets = [0, 4], sizes = [1024, 12], strides = [1, 1]} : vector<1024x16xi32> to vector<1024x12xi32>
    %slice3A_213 = vector.extract_strided_slice %select_n3A_208 {offsets = [0, 0], sizes = [1024, 4], strides = [1, 1]} : vector<1024x16xi32> to vector<1024x4xi32>
    %concatenate3A_214 = tpu.concatenate %slice3A_212, %slice3A_213 in 1 : vector<1024x12xi32>, vector<1024x4xi32> -> vector<1024x16xi32>
    %slice3A_215 = vector.extract_strided_slice %select_n3A_205 {offsets = [0, 12], sizes = [1024, 4], strides = [1, 1]} : vector<1024x16xf32> to vector<1024x4xf32>
    %slice3A_216 = vector.extract_strided_slice %select_n3A_205 {offsets = [0, 0], sizes = [1024, 12], strides = [1, 1]} : vector<1024x16xf32> to vector<1024x12xf32>
    %concatenate3A_217 = tpu.concatenate %slice3A_215, %slice3A_216 in 1 : vector<1024x4xf32>, vector<1024x12xf32> -> vector<1024x16xf32>
    %slice3A_218 = vector.extract_strided_slice %select_n3A_208 {offsets = [0, 12], sizes = [1024, 4], strides = [1, 1]} : vector<1024x16xi32> to vector<1024x4xi32>
    %slice3A_219 = vector.extract_strided_slice %select_n3A_208 {offsets = [0, 0], sizes = [1024, 12], strides = [1, 1]} : vector<1024x16xi32> to vector<1024x12xi32>
    %concatenate3A_220 = tpu.concatenate %slice3A_218, %slice3A_219 in 1 : vector<1024x4xi32>, vector<1024x12xi32> -> vector<1024x16xi32>
    %jit3A_221 = arith.constant 8 : i32
    %eq3A_222 = arith.constant 0 : i32
    %eq3A_223 = arith.cmpi eq, %jit3A_221, %eq3A_222 : i32
    %jit3A_224 = arith.constant 1 : i32
    %select_n3A_225 = arith.select %eq3A_223, %jit3A_224, %jit3A_221 : i32
    %rem3A_226 = vector.broadcast %select_n3A_225 : i32 to vector<1024x16xi32>
    %rem3A_227 = arith.remsi %iota3A_163, %rem3A_226 : vector<1024x16xi32>
    %ne3A_228 = arith.constant 0 : i32
    %ne3A_229 = vector.broadcast %ne3A_228 : i32 to vector<1024x16xi32>
    %ne3A_230 = arith.cmpi ne, %rem3A_227, %ne3A_229 : vector<1024x16xi32>
    %lt3A_231 = arith.constant 0 : i32
    %lt3A_232 = vector.broadcast %lt3A_231 : i32 to vector<1024x16xi32>
    %lt3A_233 = arith.cmpi slt, %rem3A_227, %lt3A_232 : vector<1024x16xi32>
    %lt3A_234 = arith.constant 0 : i32
    %lt3A_235 = arith.cmpi slt, %select_n3A_225, %lt3A_234 : i32
    %ne3A_236 = vector.broadcast %lt3A_235 : i1 to vector<1024x16xi1>
    %ne3A_237 = vector.broadcast %ne3A_236 : vector<1024x16xi1> to vector<1024x16xi1>
    %ne3A_238 = arith.xori %lt3A_233, %ne3A_237 : vector<1024x16xi1>
    %and3A_239 = arith.andi %ne3A_238, %ne3A_230 : vector<1024x16xi1>
    %add3A_240 = vector.broadcast %select_n3A_225 : i32 to vector<1024x16xi32>
    %add3A_241 = arith.addi %rem3A_227, %add3A_240 : vector<1024x16xi32>
    %select_n3A_242 = arith.select %and3A_239, %add3A_241, %rem3A_227 : vector<1024x16xi1>, vector<1024x16xi32>
    %lt3A_243 = arith.constant 4 : i32
    %lt3A_244 = vector.broadcast %lt3A_243 : i32 to vector<1024x16xi32>
    %lt3A_245 = arith.cmpi slt, %select_n3A_242, %lt3A_244 : vector<1024x16xi32>
    %gt3A_246 = arith.cmpf ogt, %select_n3A_205, %concatenate3A_211 : vector<1024x16xf32>
    %eq3A_247 = arith.cmpf oeq, %select_n3A_205, %concatenate3A_211 : vector<1024x16xf32>
    %le3A_248 = arith.cmpi sle, %select_n3A_208, %concatenate3A_214 : vector<1024x16xi32>
    %and3A_249 = arith.andi %eq3A_247, %le3A_248 : vector<1024x16xi1>
    %or3A_250 = arith.ori %gt3A_246, %and3A_249 : vector<1024x16xi1>
    %gt3A_251 = arith.cmpf ogt, %concatenate3A_217, %select_n3A_205 : vector<1024x16xf32>
    %eq3A_252 = arith.cmpf oeq, %concatenate3A_217, %select_n3A_205 : vector<1024x16xf32>
    %le3A_253 = arith.cmpi sle, %concatenate3A_220, %select_n3A_208 : vector<1024x16xi32>
    %and3A_254 = arith.andi %eq3A_252, %le3A_253 : vector<1024x16xi1>
    %or3A_255 = arith.ori %gt3A_251, %and3A_254 : vector<1024x16xi1>
    %select_n3A_256 = arith.select %or3A_250, %select_n3A_205, %concatenate3A_211 : vector<1024x16xi1>, vector<1024x16xf32>
    %select_n3A_257 = arith.select %or3A_255, %select_n3A_205, %concatenate3A_217 : vector<1024x16xi1>, vector<1024x16xf32>
    %select_n3A_258 = arith.select %lt3A_245, %select_n3A_256, %select_n3A_257 : vector<1024x16xi1>, vector<1024x16xf32>
    %select_n3A_259 = arith.select %or3A_250, %select_n3A_208, %concatenate3A_214 : vector<1024x16xi1>, vector<1024x16xi32>
    %select_n3A_260 = arith.select %or3A_255, %select_n3A_208, %concatenate3A_220 : vector<1024x16xi1>, vector<1024x16xi32>
    %select_n3A_261 = arith.select %lt3A_245, %select_n3A_259, %select_n3A_260 : vector<1024x16xi1>, vector<1024x16xi32>
    %slice3A_262 = vector.extract_strided_slice %select_n3A_258 {offsets = [0, 2], sizes = [1024, 14], strides = [1, 1]} : vector<1024x16xf32> to vector<1024x14xf32>
    %slice3A_263 = vector.extract_strided_slice %select_n3A_258 {offsets = [0, 0], sizes = [1024, 2], strides = [1, 1]} : vector<1024x16xf32> to vector<1024x2xf32>
    %concatenate3A_264 = tpu.concatenate %slice3A_262, %slice3A_263 in 1 : vector<1024x14xf32>, vector<1024x2xf32> -> vector<1024x16xf32>
    %slice3A_265 = vector.extract_strided_slice %select_n3A_261 {offsets = [0, 2], sizes = [1024, 14], strides = [1, 1]} : vector<1024x16xi32> to vector<1024x14xi32>
    %slice3A_266 = vector.extract_strided_slice %select_n3A_261 {offsets = [0, 0], sizes = [1024, 2], strides = [1, 1]} : vector<1024x16xi32> to vector<1024x2xi32>
    %concatenate3A_267 = tpu.concatenate %slice3A_265, %slice3A_266 in 1 : vector<1024x14xi32>, vector<1024x2xi32> -> vector<1024x16xi32>
    %slice3A_268 = vector.extract_strided_slice %select_n3A_258 {offsets = [0, 14], sizes = [1024, 2], strides = [1, 1]} : vector<1024x16xf32> to vector<1024x2xf32>
    %slice3A_269 = vector.extract_strided_slice %select_n3A_258 {offsets = [0, 0], sizes = [1024, 14], strides = [1, 1]} : vector<1024x16xf32> to vector<1024x14xf32>
    %concatenate3A_270 = tpu.concatenate %slice3A_268, %slice3A_269 in 1 : vector<1024x2xf32>, vector<1024x14xf32> -> vector<1024x16xf32>
    %slice3A_271 = vector.extract_strided_slice %select_n3A_261 {offsets = [0, 14], sizes = [1024, 2], strides = [1, 1]} : vector<1024x16xi32> to vector<1024x2xi32>
    %slice3A_272 = vector.extract_strided_slice %select_n3A_261 {offsets = [0, 0], sizes = [1024, 14], strides = [1, 1]} : vector<1024x16xi32> to vector<1024x14xi32>
    %concatenate3A_273 = tpu.concatenate %slice3A_271, %slice3A_272 in 1 : vector<1024x2xi32>, vector<1024x14xi32> -> vector<1024x16xi32>
    %jit3A_274 = arith.constant 4 : i32
    %eq3A_275 = arith.constant 0 : i32
    %eq3A_276 = arith.cmpi eq, %jit3A_274, %eq3A_275 : i32
    %jit3A_277 = arith.constant 1 : i32
    %select_n3A_278 = arith.select %eq3A_276, %jit3A_277, %jit3A_274 : i32
    %rem3A_279 = vector.broadcast %select_n3A_278 : i32 to vector<1024x16xi32>
    %rem3A_280 = arith.remsi %iota3A_163, %rem3A_279 : vector<1024x16xi32>
    %ne3A_281 = arith.constant 0 : i32
    %ne3A_282 = vector.broadcast %ne3A_281 : i32 to vector<1024x16xi32>
    %ne3A_283 = arith.cmpi ne, %rem3A_280, %ne3A_282 : vector<1024x16xi32>
    %lt3A_284 = arith.constant 0 : i32
    %lt3A_285 = vector.broadcast %lt3A_284 : i32 to vector<1024x16xi32>
    %lt3A_286 = arith.cmpi slt, %rem3A_280, %lt3A_285 : vector<1024x16xi32>
    %lt3A_287 = arith.constant 0 : i32
    %lt3A_288 = arith.cmpi slt, %select_n3A_278, %lt3A_287 : i32
    %ne3A_289 = vector.broadcast %lt3A_288 : i1 to vector<1024x16xi1>
    %ne3A_290 = vector.broadcast %ne3A_289 : vector<1024x16xi1> to vector<1024x16xi1>
    %ne3A_291 = arith.xori %lt3A_286, %ne3A_290 : vector<1024x16xi1>
    %and3A_292 = arith.andi %ne3A_291, %ne3A_283 : vector<1024x16xi1>
    %add3A_293 = vector.broadcast %select_n3A_278 : i32 to vector<1024x16xi32>
    %add3A_294 = arith.addi %rem3A_280, %add3A_293 : vector<1024x16xi32>
    %select_n3A_295 = arith.select %and3A_292, %add3A_294, %rem3A_280 : vector<1024x16xi1>, vector<1024x16xi32>
    %lt3A_296 = arith.constant 2 : i32
    %lt3A_297 = vector.broadcast %lt3A_296 : i32 to vector<1024x16xi32>
    %lt3A_298 = arith.cmpi slt, %select_n3A_295, %lt3A_297 : vector<1024x16xi32>
    %gt3A_299 = arith.cmpf ogt, %select_n3A_258, %concatenate3A_264 : vector<1024x16xf32>
    %eq3A_300 = arith.cmpf oeq, %select_n3A_258, %concatenate3A_264 : vector<1024x16xf32>
    %le3A_301 = arith.cmpi sle, %select_n3A_261, %concatenate3A_267 : vector<1024x16xi32>
    %and3A_302 = arith.andi %eq3A_300, %le3A_301 : vector<1024x16xi1>
    %or3A_303 = arith.ori %gt3A_299, %and3A_302 : vector<1024x16xi1>
    %gt3A_304 = arith.cmpf ogt, %concatenate3A_270, %select_n3A_258 : vector<1024x16xf32>
    %eq3A_305 = arith.cmpf oeq, %concatenate3A_270, %select_n3A_258 : vector<1024x16xf32>
    %le3A_306 = arith.cmpi sle, %concatenate3A_273, %select_n3A_261 : vector<1024x16xi32>
    %and3A_307 = arith.andi %eq3A_305, %le3A_306 : vector<1024x16xi1>
    %or3A_308 = arith.ori %gt3A_304, %and3A_307 : vector<1024x16xi1>
    %select_n3A_309 = arith.select %or3A_303, %select_n3A_258, %concatenate3A_264 : vector<1024x16xi1>, vector<1024x16xf32>
    %select_n3A_310 = arith.select %or3A_308, %select_n3A_258, %concatenate3A_270 : vector<1024x16xi1>, vector<1024x16xf32>
    %select_n3A_311 = arith.select %lt3A_298, %select_n3A_309, %select_n3A_310 : vector<1024x16xi1>, vector<1024x16xf32>
    %select_n3A_312 = arith.select %or3A_303, %select_n3A_261, %concatenate3A_267 : vector<1024x16xi1>, vector<1024x16xi32>
    %select_n3A_313 = arith.select %or3A_308, %select_n3A_261, %concatenate3A_273 : vector<1024x16xi1>, vector<1024x16xi32>
    %select_n3A_314 = arith.select %lt3A_298, %select_n3A_312, %select_n3A_313 : vector<1024x16xi1>, vector<1024x16xi32>
    %slice3A_315 = vector.extract_strided_slice %select_n3A_311 {offsets = [0, 1], sizes = [1024, 15], strides = [1, 1]} : vector<1024x16xf32> to vector<1024x15xf32>
    %slice3A_316 = vector.extract_strided_slice %select_n3A_311 {offsets = [0, 0], sizes = [1024, 1], strides = [1, 1]} : vector<1024x16xf32> to vector<1024x1xf32>
    %concatenate3A_317 = tpu.concatenate %slice3A_315, %slice3A_316 in 1 : vector<1024x15xf32>, vector<1024x1xf32> -> vector<1024x16xf32>
    %slice3A_318 = vector.extract_strided_slice %select_n3A_314 {offsets = [0, 1], sizes = [1024, 15], strides = [1, 1]} : vector<1024x16xi32> to vector<1024x15xi32>
    %slice3A_319 = vector.extract_strided_slice %select_n3A_314 {offsets = [0, 0], sizes = [1024, 1], strides = [1, 1]} : vector<1024x16xi32> to vector<1024x1xi32>
    %concatenate3A_320 = tpu.concatenate %slice3A_318, %slice3A_319 in 1 : vector<1024x15xi32>, vector<1024x1xi32> -> vector<1024x16xi32>
    %slice3A_321 = vector.extract_strided_slice %select_n3A_311 {offsets = [0, 15], sizes = [1024, 1], strides = [1, 1]} : vector<1024x16xf32> to vector<1024x1xf32>
    %slice3A_322 = vector.extract_strided_slice %select_n3A_311 {offsets = [0, 0], sizes = [1024, 15], strides = [1, 1]} : vector<1024x16xf32> to vector<1024x15xf32>
    %concatenate3A_323 = tpu.concatenate %slice3A_321, %slice3A_322 in 1 : vector<1024x1xf32>, vector<1024x15xf32> -> vector<1024x16xf32>
    %slice3A_324 = vector.extract_strided_slice %select_n3A_314 {offsets = [0, 15], sizes = [1024, 1], strides = [1, 1]} : vector<1024x16xi32> to vector<1024x1xi32>
    %slice3A_325 = vector.extract_strided_slice %select_n3A_314 {offsets = [0, 0], sizes = [1024, 15], strides = [1, 1]} : vector<1024x16xi32> to vector<1024x15xi32>
    %concatenate3A_326 = tpu.concatenate %slice3A_324, %slice3A_325 in 1 : vector<1024x1xi32>, vector<1024x15xi32> -> vector<1024x16xi32>
    %jit3A_327 = arith.constant 2 : i32
    %eq3A_328 = arith.constant 0 : i32
    %eq3A_329 = arith.cmpi eq, %jit3A_327, %eq3A_328 : i32
    %jit3A_330 = arith.constant 1 : i32
    %select_n3A_331 = arith.select %eq3A_329, %jit3A_330, %jit3A_327 : i32
    %rem3A_332 = vector.broadcast %select_n3A_331 : i32 to vector<1024x16xi32>
    %rem3A_333 = arith.remsi %iota3A_163, %rem3A_332 : vector<1024x16xi32>
    %ne3A_334 = arith.constant 0 : i32
    %ne3A_335 = vector.broadcast %ne3A_334 : i32 to vector<1024x16xi32>
    %ne3A_336 = arith.cmpi ne, %rem3A_333, %ne3A_335 : vector<1024x16xi32>
    %lt3A_337 = arith.constant 0 : i32
    %lt3A_338 = vector.broadcast %lt3A_337 : i32 to vector<1024x16xi32>
    %lt3A_339 = arith.cmpi slt, %rem3A_333, %lt3A_338 : vector<1024x16xi32>
    %lt3A_340 = arith.constant 0 : i32
    %lt3A_341 = arith.cmpi slt, %select_n3A_331, %lt3A_340 : i32
    %ne3A_342 = vector.broadcast %lt3A_341 : i1 to vector<1024x16xi1>
    %ne3A_343 = vector.broadcast %ne3A_342 : vector<1024x16xi1> to vector<1024x16xi1>
    %ne3A_344 = arith.xori %lt3A_339, %ne3A_343 : vector<1024x16xi1>
    %and3A_345 = arith.andi %ne3A_344, %ne3A_336 : vector<1024x16xi1>
    %add3A_346 = vector.broadcast %select_n3A_331 : i32 to vector<1024x16xi32>
    %add3A_347 = arith.addi %rem3A_333, %add3A_346 : vector<1024x16xi32>
    %select_n3A_348 = arith.select %and3A_345, %add3A_347, %rem3A_333 : vector<1024x16xi1>, vector<1024x16xi32>
    %lt3A_349 = arith.constant 1 : i32
    %lt3A_350 = vector.broadcast %lt3A_349 : i32 to vector<1024x16xi32>
    %lt3A_351 = arith.cmpi slt, %select_n3A_348, %lt3A_350 : vector<1024x16xi32>
    %gt3A_352 = arith.cmpf ogt, %select_n3A_311, %concatenate3A_317 : vector<1024x16xf32>
    %eq3A_353 = arith.cmpf oeq, %select_n3A_311, %concatenate3A_317 : vector<1024x16xf32>
    %le3A_354 = arith.cmpi sle, %select_n3A_314, %concatenate3A_320 : vector<1024x16xi32>
    %and3A_355 = arith.andi %eq3A_353, %le3A_354 : vector<1024x16xi1>
    %or3A_356 = arith.ori %gt3A_352, %and3A_355 : vector<1024x16xi1>
    %gt3A_357 = arith.cmpf ogt, %concatenate3A_323, %select_n3A_311 : vector<1024x16xf32>
    %eq3A_358 = arith.cmpf oeq, %concatenate3A_323, %select_n3A_311 : vector<1024x16xf32>
    %le3A_359 = arith.cmpi sle, %concatenate3A_326, %select_n3A_314 : vector<1024x16xi32>
    %and3A_360 = arith.andi %eq3A_358, %le3A_359 : vector<1024x16xi1>
    %or3A_361 = arith.ori %gt3A_357, %and3A_360 : vector<1024x16xi1>
    %select_n3A_362 = arith.select %or3A_356, %select_n3A_311, %concatenate3A_317 : vector<1024x16xi1>, vector<1024x16xf32>
    %select_n3A_363 = arith.select %or3A_361, %select_n3A_311, %concatenate3A_323 : vector<1024x16xi1>, vector<1024x16xf32>
    %select_n3A_364 = arith.select %lt3A_351, %select_n3A_362, %select_n3A_363 : vector<1024x16xi1>, vector<1024x16xf32>
    %select_n3A_365 = arith.select %or3A_356, %select_n3A_314, %concatenate3A_320 : vector<1024x16xi1>, vector<1024x16xi32>
    %select_n3A_366 = arith.select %or3A_361, %select_n3A_314, %concatenate3A_326 : vector<1024x16xi1>, vector<1024x16xi32>
    %select_n3A_367 = arith.select %lt3A_351, %select_n3A_365, %select_n3A_366 : vector<1024x16xi1>, vector<1024x16xi32>
    %slice3A_368 = vector.extract_strided_slice %select_n3A_364 {offsets = [0, 0], sizes = [1024, 8], strides = [1, 1]} : vector<1024x16xf32> to vector<1024x8xf32>
    %swap3A = arith.constant 0 : index
    %swap3A_369 = arith.constant 0 : index
    %swap3A_370 = vector.load %arg7[%swap3A, %swap3A_369] : memref<1024x8xf32, #tpu.memory_space<vmem>>, vector<1024x8xf32>
    tpu.vector_store %arg7[%swap3A, %swap3A_369], %slice3A_368 {strides = array<i32>} : memref<1024x8xf32, #tpu.memory_space<vmem>>, vector<1024x8xf32>,
    %slice3A_371 = vector.extract_strided_slice %select_n3A_367 {offsets = [0, 0], sizes = [1024, 8], strides = [1, 1]} : vector<1024x16xi32> to vector<1024x8xi32>
    %swap3A_372 = arith.constant 0 : index
    %swap3A_373 = arith.constant 0 : index
    %swap3A_374 = vector.load %arg8[%swap3A_372, %swap3A_373] : memref<1024x8xi32, #tpu.memory_space<vmem>>, vector<1024x8xi32>
    tpu.vector_store %arg8[%swap3A_372, %swap3A_373], %slice3A_371 {strides = array<i32>} : memref<1024x8xi32, #tpu.memory_space<vmem>>, vector<1024x8xi32>,
    return
  }
  func.func @transform_0(%arg0: i32, %arg1: i32) -> (i32, i32) {
    %c0_i32 = arith.constant 0 : i32
    %c0_i32_0 = arith.constant 0 : i32
    return %arg0, %c0_i32 : i32, i32
  }
  func.func @transform_1(%arg0: i32, %arg1: i32) -> (i32, i32) {
    %c0_i32 = arith.constant 0 : i32
    %c0_i32_0 = arith.constant 0 : i32
    %c0_i32_1 = arith.constant 0 : i32
    return %c0_i32, %c0_i32_0 : i32, i32
  }
  func.func @transform_2(%arg0: i32, %arg1: i32) -> (i32, i32) {
    %c0_i32 = arith.constant 0 : i32
    %c0_i32_0 = arith.constant 0 : i32
    %c0_i32_1 = arith.constant 0 : i32
    return %c0_i32, %c0_i32_0 : i32, i32
  }
  func.func @transform_3(%arg0: i32, %arg1: i32) -> (i32, i32) {
    %c0_i32 = arith.constant 0 : i32
    %c0_i32_0 = arith.constant 0 : i32
    return %arg1, %c0_i32 : i32, i32
  }
  func.func @transform_4(%arg0: i32, %arg1: i32) -> (i32, i32) {
    %c0_i32 = arith.constant 0 : i32
    %c0_i32_0 = arith.constant 0 : i32
    return %c0_i32, %arg1 : i32, i32
  }
  func.func @transform_5(%arg0: i32, %arg1: i32) -> (i32, i32) {
    %c0_i32 = arith.constant 0 : i32
    %c0_i32_0 = arith.constant 0 : i32
    return %arg0, %c0_i32 : i32, i32
  }
  func.func @transform_6(%arg0: i32, %arg1: i32) -> (i32, i32) {
    %c0_i32 = arith.constant 0 : i32
    %c0_i32_0 = arith.constant 0 : i32
    return %arg0, %c0_i32 : i32, i32
  }
}

module attributes {stable_mosaic.version = 14 : i64} {
  func.func @_combine_stage(%arg0: memref<1024x8xf32, #tpu.memory_space<vmem>>, %arg1: memref<1024x8x128xf32, #tpu.memory_space<vmem>>, %arg2: memref<128x128xf32, #tpu.memory_space<vmem>>, %arg3: memref<1024x128xf32, #tpu.memory_space<vmem>>) attributes {dimension_semantics = [], scalar_prefetch = 0 : i64, scratch_operands = 0 : i64, tpu.core_type = #tpu.core_type<tc>} {
    %get3A = arith.constant 0 : index
    %get3A_0 = arith.constant 0 : index
    %get3A_1 = vector.load %arg0[%get3A, %get3A_0] : memref<1024x8xf32, #tpu.memory_space<vmem>>, vector<1024x8xf32>
    %reduce_max3A = arith.constant dense<0xFF800000> : vector<1024xf32>
    %reduce_max3A_2 = vector.multi_reduction <maximumf>, %get3A_1, %reduce_max3A [1] : vector<1024x8xf32> to vector<1024xf32>
    %broadcast_in_dim3A = vector.shape_cast %reduce_max3A_2 : vector<1024xf32> to vector<1024x1xf32>
    %sub3A = vector.broadcast %broadcast_in_dim3A : vector<1024x1xf32> to vector<1024x8xf32>
    %sub3A_3 = arith.subf %get3A_1, %sub3A : vector<1024x8xf32>
    %exp3A = math.exp %sub3A_3 : vector<1024x8xf32>
    %reduce_sum3A = arith.constant dense<0.000000e+00> : vector<1024xf32>
    %reduce_sum3A_4 = vector.multi_reduction <add>, %exp3A, %reduce_sum3A [1] : vector<1024x8xf32> to vector<1024xf32>
    %broadcast_in_dim3A_5 = vector.shape_cast %reduce_sum3A_4 : vector<1024xf32> to vector<1024x1xf32>
    %div3A = vector.broadcast %broadcast_in_dim3A_5 : vector<1024x1xf32> to vector<1024x8xf32>
    %div3A_6 = arith.divf %exp3A, %div3A : vector<1024x8xf32>
    %get3A_7 = arith.constant 0 : index
    %get3A_8 = arith.constant 0 : index
    %get3A_9 = arith.constant 0 : index
    %get3A_10 = vector.load %arg1[%get3A_7, %get3A_8, %get3A_9] : memref<1024x8x128xf32, #tpu.memory_space<vmem>>, vector<1024x1x128xf32>
    %get3A_11 = vector.shape_cast %get3A_10 : vector<1024x1x128xf32> to vector<1024x128xf32>
    %get3A_12 = arith.constant 0 : index
    %get3A_13 = arith.constant 0 : index
    %get3A_14 = vector.load %arg2[%get3A_12, %get3A_13] : memref<128x128xf32, #tpu.memory_space<vmem>>, vector<128x128xf32>
    %dot_general3A = arith.constant dense<0.000000e+00> : vector<1024x128xf32>
    %dot_general3A_15 = tpu.matmul %get3A_11, %get3A_14, %dot_general3A {dimension_numbers = #tpu.dot_dimension_numbers<[1], [1], [0], [0], [0, 0, 1, 0], [], []>, transpose_lhs_hint = false} : vector<1024x128xf32>, vector<128x128xf32>, vector<1024x128xf32> -> vector<1024x128xf32>
    %slice3A = vector.extract_strided_slice %div3A_6 {offsets = [0, 0], sizes = [1024, 1], strides = [1, 1]} : vector<1024x8xf32> to vector<1024x1xf32>
    %mul3A = vector.broadcast %slice3A : vector<1024x1xf32> to vector<1024x128xf32>
    %mul3A_16 = arith.mulf %mul3A, %dot_general3A_15 : vector<1024x128xf32>
    %get3A_17 = arith.constant 0 : index
    %get3A_18 = arith.constant 1 : index
    %get3A_19 = arith.constant 0 : index
    %get3A_20 = vector.load %arg1[%get3A_17, %get3A_18, %get3A_19] : memref<1024x8x128xf32, #tpu.memory_space<vmem>>, vector<1024x1x128xf32>
    %get3A_21 = vector.shape_cast %get3A_20 : vector<1024x1x128xf32> to vector<1024x128xf32>
    %get3A_22 = arith.constant 0 : index
    %get3A_23 = arith.constant 0 : index
    %get3A_24 = vector.load %arg2[%get3A_22, %get3A_23] : memref<128x128xf32, #tpu.memory_space<vmem>>, vector<128x128xf32>
    %dot_general3A_25 = arith.constant dense<0.000000e+00> : vector<1024x128xf32>
    %dot_general3A_26 = tpu.matmul %get3A_21, %get3A_24, %dot_general3A_25 {dimension_numbers = #tpu.dot_dimension_numbers<[1], [1], [0], [0], [0, 0, 1, 0], [], []>, transpose_lhs_hint = false} : vector<1024x128xf32>, vector<128x128xf32>, vector<1024x128xf32> -> vector<1024x128xf32>
    %slice3A_27 = vector.extract_strided_slice %div3A_6 {offsets = [0, 1], sizes = [1024, 1], strides = [1, 1]} : vector<1024x8xf32> to vector<1024x1xf32>
    %mul3A_28 = vector.broadcast %slice3A_27 : vector<1024x1xf32> to vector<1024x128xf32>
    %mul3A_29 = arith.mulf %mul3A_28, %dot_general3A_26 : vector<1024x128xf32>
    %add3A = arith.addf %mul3A_16, %mul3A_29 : vector<1024x128xf32>
    %get3A_30 = arith.constant 0 : index
    %get3A_31 = arith.constant 2 : index
    %get3A_32 = arith.constant 0 : index
    %get3A_33 = vector.load %arg1[%get3A_30, %get3A_31, %get3A_32] : memref<1024x8x128xf32, #tpu.memory_space<vmem>>, vector<1024x1x128xf32>
    %get3A_34 = vector.shape_cast %get3A_33 : vector<1024x1x128xf32> to vector<1024x128xf32>
    %get3A_35 = arith.constant 0 : index
    %get3A_36 = arith.constant 0 : index
    %get3A_37 = vector.load %arg2[%get3A_35, %get3A_36] : memref<128x128xf32, #tpu.memory_space<vmem>>, vector<128x128xf32>
    %dot_general3A_38 = arith.constant dense<0.000000e+00> : vector<1024x128xf32>
    %dot_general3A_39 = tpu.matmul %get3A_34, %get3A_37, %dot_general3A_38 {dimension_numbers = #tpu.dot_dimension_numbers<[1], [1], [0], [0], [0, 0, 1, 0], [], []>, transpose_lhs_hint = false} : vector<1024x128xf32>, vector<128x128xf32>, vector<1024x128xf32> -> vector<1024x128xf32>
    %slice3A_40 = vector.extract_strided_slice %div3A_6 {offsets = [0, 2], sizes = [1024, 1], strides = [1, 1]} : vector<1024x8xf32> to vector<1024x1xf32>
    %mul3A_41 = vector.broadcast %slice3A_40 : vector<1024x1xf32> to vector<1024x128xf32>
    %mul3A_42 = arith.mulf %mul3A_41, %dot_general3A_39 : vector<1024x128xf32>
    %add3A_43 = arith.addf %add3A, %mul3A_42 : vector<1024x128xf32>
    %get3A_44 = arith.constant 0 : index
    %get3A_45 = arith.constant 3 : index
    %get3A_46 = arith.constant 0 : index
    %get3A_47 = vector.load %arg1[%get3A_44, %get3A_45, %get3A_46] : memref<1024x8x128xf32, #tpu.memory_space<vmem>>, vector<1024x1x128xf32>
    %get3A_48 = vector.shape_cast %get3A_47 : vector<1024x1x128xf32> to vector<1024x128xf32>
    %get3A_49 = arith.constant 0 : index
    %get3A_50 = arith.constant 0 : index
    %get3A_51 = vector.load %arg2[%get3A_49, %get3A_50] : memref<128x128xf32, #tpu.memory_space<vmem>>, vector<128x128xf32>
    %dot_general3A_52 = arith.constant dense<0.000000e+00> : vector<1024x128xf32>
    %dot_general3A_53 = tpu.matmul %get3A_48, %get3A_51, %dot_general3A_52 {dimension_numbers = #tpu.dot_dimension_numbers<[1], [1], [0], [0], [0, 0, 1, 0], [], []>, transpose_lhs_hint = false} : vector<1024x128xf32>, vector<128x128xf32>, vector<1024x128xf32> -> vector<1024x128xf32>
    %slice3A_54 = vector.extract_strided_slice %div3A_6 {offsets = [0, 3], sizes = [1024, 1], strides = [1, 1]} : vector<1024x8xf32> to vector<1024x1xf32>
    %mul3A_55 = vector.broadcast %slice3A_54 : vector<1024x1xf32> to vector<1024x128xf32>
    %mul3A_56 = arith.mulf %mul3A_55, %dot_general3A_53 : vector<1024x128xf32>
    %add3A_57 = arith.addf %add3A_43, %mul3A_56 : vector<1024x128xf32>
    %get3A_58 = arith.constant 0 : index
    %get3A_59 = arith.constant 4 : index
    %get3A_60 = arith.constant 0 : index
    %get3A_61 = vector.load %arg1[%get3A_58, %get3A_59, %get3A_60] : memref<1024x8x128xf32, #tpu.memory_space<vmem>>, vector<1024x1x128xf32>
    %get3A_62 = vector.shape_cast %get3A_61 : vector<1024x1x128xf32> to vector<1024x128xf32>
    %get3A_63 = arith.constant 0 : index
    %get3A_64 = arith.constant 0 : index
    %get3A_65 = vector.load %arg2[%get3A_63, %get3A_64] : memref<128x128xf32, #tpu.memory_space<vmem>>, vector<128x128xf32>
    %dot_general3A_66 = arith.constant dense<0.000000e+00> : vector<1024x128xf32>
    %dot_general3A_67 = tpu.matmul %get3A_62, %get3A_65, %dot_general3A_66 {dimension_numbers = #tpu.dot_dimension_numbers<[1], [1], [0], [0], [0, 0, 1, 0], [], []>, transpose_lhs_hint = false} : vector<1024x128xf32>, vector<128x128xf32>, vector<1024x128xf32> -> vector<1024x128xf32>
    %slice3A_68 = vector.extract_strided_slice %div3A_6 {offsets = [0, 4], sizes = [1024, 1], strides = [1, 1]} : vector<1024x8xf32> to vector<1024x1xf32>
    %mul3A_69 = vector.broadcast %slice3A_68 : vector<1024x1xf32> to vector<1024x128xf32>
    %mul3A_70 = arith.mulf %mul3A_69, %dot_general3A_67 : vector<1024x128xf32>
    %add3A_71 = arith.addf %add3A_57, %mul3A_70 : vector<1024x128xf32>
    %get3A_72 = arith.constant 0 : index
    %get3A_73 = arith.constant 5 : index
    %get3A_74 = arith.constant 0 : index
    %get3A_75 = vector.load %arg1[%get3A_72, %get3A_73, %get3A_74] : memref<1024x8x128xf32, #tpu.memory_space<vmem>>, vector<1024x1x128xf32>
    %get3A_76 = vector.shape_cast %get3A_75 : vector<1024x1x128xf32> to vector<1024x128xf32>
    %get3A_77 = arith.constant 0 : index
    %get3A_78 = arith.constant 0 : index
    %get3A_79 = vector.load %arg2[%get3A_77, %get3A_78] : memref<128x128xf32, #tpu.memory_space<vmem>>, vector<128x128xf32>
    %dot_general3A_80 = arith.constant dense<0.000000e+00> : vector<1024x128xf32>
    %dot_general3A_81 = tpu.matmul %get3A_76, %get3A_79, %dot_general3A_80 {dimension_numbers = #tpu.dot_dimension_numbers<[1], [1], [0], [0], [0, 0, 1, 0], [], []>, transpose_lhs_hint = false} : vector<1024x128xf32>, vector<128x128xf32>, vector<1024x128xf32> -> vector<1024x128xf32>
    %slice3A_82 = vector.extract_strided_slice %div3A_6 {offsets = [0, 5], sizes = [1024, 1], strides = [1, 1]} : vector<1024x8xf32> to vector<1024x1xf32>
    %mul3A_83 = vector.broadcast %slice3A_82 : vector<1024x1xf32> to vector<1024x128xf32>
    %mul3A_84 = arith.mulf %mul3A_83, %dot_general3A_81 : vector<1024x128xf32>
    %add3A_85 = arith.addf %add3A_71, %mul3A_84 : vector<1024x128xf32>
    %get3A_86 = arith.constant 0 : index
    %get3A_87 = arith.constant 6 : index
    %get3A_88 = arith.constant 0 : index
    %get3A_89 = vector.load %arg1[%get3A_86, %get3A_87, %get3A_88] : memref<1024x8x128xf32, #tpu.memory_space<vmem>>, vector<1024x1x128xf32>
    %get3A_90 = vector.shape_cast %get3A_89 : vector<1024x1x128xf32> to vector<1024x128xf32>
    %get3A_91 = arith.constant 0 : index
    %get3A_92 = arith.constant 0 : index
    %get3A_93 = vector.load %arg2[%get3A_91, %get3A_92] : memref<128x128xf32, #tpu.memory_space<vmem>>, vector<128x128xf32>
    %dot_general3A_94 = arith.constant dense<0.000000e+00> : vector<1024x128xf32>
    %dot_general3A_95 = tpu.matmul %get3A_90, %get3A_93, %dot_general3A_94 {dimension_numbers = #tpu.dot_dimension_numbers<[1], [1], [0], [0], [0, 0, 1, 0], [], []>, transpose_lhs_hint = false} : vector<1024x128xf32>, vector<128x128xf32>, vector<1024x128xf32> -> vector<1024x128xf32>
    %slice3A_96 = vector.extract_strided_slice %div3A_6 {offsets = [0, 6], sizes = [1024, 1], strides = [1, 1]} : vector<1024x8xf32> to vector<1024x1xf32>
    %mul3A_97 = vector.broadcast %slice3A_96 : vector<1024x1xf32> to vector<1024x128xf32>
    %mul3A_98 = arith.mulf %mul3A_97, %dot_general3A_95 : vector<1024x128xf32>
    %add3A_99 = arith.addf %add3A_85, %mul3A_98 : vector<1024x128xf32>
    %get3A_100 = arith.constant 0 : index
    %get3A_101 = arith.constant 7 : index
    %get3A_102 = arith.constant 0 : index
    %get3A_103 = vector.load %arg1[%get3A_100, %get3A_101, %get3A_102] : memref<1024x8x128xf32, #tpu.memory_space<vmem>>, vector<1024x1x128xf32>
    %get3A_104 = vector.shape_cast %get3A_103 : vector<1024x1x128xf32> to vector<1024x128xf32>
    %get3A_105 = arith.constant 0 : index
    %get3A_106 = arith.constant 0 : index
    %get3A_107 = vector.load %arg2[%get3A_105, %get3A_106] : memref<128x128xf32, #tpu.memory_space<vmem>>, vector<128x128xf32>
    %dot_general3A_108 = arith.constant dense<0.000000e+00> : vector<1024x128xf32>
    %dot_general3A_109 = tpu.matmul %get3A_104, %get3A_107, %dot_general3A_108 {dimension_numbers = #tpu.dot_dimension_numbers<[1], [1], [0], [0], [0, 0, 1, 0], [], []>, transpose_lhs_hint = false} : vector<1024x128xf32>, vector<128x128xf32>, vector<1024x128xf32> -> vector<1024x128xf32>
    %slice3A_110 = vector.extract_strided_slice %div3A_6 {offsets = [0, 7], sizes = [1024, 1], strides = [1, 1]} : vector<1024x8xf32> to vector<1024x1xf32>
    %mul3A_111 = vector.broadcast %slice3A_110 : vector<1024x1xf32> to vector<1024x128xf32>
    %mul3A_112 = arith.mulf %mul3A_111, %dot_general3A_109 : vector<1024x128xf32>
    %add3A_113 = arith.addf %add3A_99, %mul3A_112 : vector<1024x128xf32>
    %swap3A = arith.constant 0 : index
    %swap3A_114 = arith.constant 0 : index
    %swap3A_115 = vector.load %arg3[%swap3A, %swap3A_114] : memref<1024x128xf32, #tpu.memory_space<vmem>>, vector<1024x128xf32>
    tpu.vector_store %arg3[%swap3A, %swap3A_114], %add3A_113 {strides = array<i32>} : memref<1024x128xf32, #tpu.memory_space<vmem>>, vector<1024x128xf32>,
    return
  }
}

</mosaic_0001>

<sc_bundles>
// kernel: kernel.5.cloned.1.call-start
scs
__scs_entry_jumppad:
0x0: {  	(pc) =	sbr.rel $0x88, $3  }
0x1: {  	(tag) =	ssettag $0x0;
	lr =	simm.s32 $0x1  }
0x2: {  	[smem:$0x3F9B] =	sst lr;
	_ =	strace $0xD0000000  }
0x3: {  	_ = 	snop  }
0x4: {  	_ = 	snop  }
0x5: {  	_ = 	snop  }
0x6: {  	_ = 	snop  }
0x7: {  	_ = 	snop  }
__scs_overlays_trampoline_lowered:
0x8: {  	[smem:$0x3FAA] =	sst s0  }
0x9: {  	[smem:$0x3FAB] =	sst s1  }
0xa: {  	[smem:$0x3FAC] =	sst s2  }
0xb: {  	[smem:$0x3FAD] =	sst s3  }
0xc: {  	[smem:$0x3FAE] =	sst s4  }
0xd: {  	[smem:$0x3FAF] =	sst s5  }
0xe: {  	[smem:$0x3FB0] =	sst s6  }
0xf: {  	[smem:$0x3FB1] =	sst s7  }
0x10: {  	[smem:$0x3FB2] =	sst s8  }
0x11: {  	[smem:$0x3FB3] =	sst s9;
	s0 =	simm.s32 @!p0 $0x0  }
0x12: {  	s1 =	sld [smem:$0x3F99];
	s0 =	simm.s32 @p0 $0x1  }
0x13: {  	[smem:$0x3FB4] =	sst s0;
	s0 =	simm.s32 @!p1 $0x0  }
0x14: {  	s2 =	sld [smem:$0x3F98];
	s0 =	simm.s32 @p1 $0x1  }
0x15: {  	[smem:$0x3FB5] =	sst s0;
	s0 =	simm.s32 @!p2 $0x0  }
0x16: {  	s3 =	sld [smem:$0x3FDB];
	s0 =	simm.s32 @p2 $0x1  }
0x17: {  	s4 =	simm.s32 $0x1BF5;
	[smem:$0x3FB7] =	sst s0  }
0x18: {  	s0 =	sld [smem:$0x3F9A];
	_ =	swait.ge [sflag:s4], $0x0  }
0x19: {  	s7 =	sld [smem:$0x3F9B]  }
0x1a: {  	s8 =	sadd.s32 $0xFFFFE003, lr  }
0x1b: {  	s9 =	sadd.s32 $0xFFFFFEF7, lr;
	s5 =	simm.s32 $0xFFFFFFFF;
	p2 =	slt.u32 s8, $0xFFFFF086  }
0x1c: {  	p1 =	slt.u32 s9, $0xF7A;
	s5 =	simm.s32 @!p2 $0x0  }
0x1d: {  	s5 =	simm.s32 @p1 $0x1;
	p0 =	seq.s32 s7, s2  }
0x1e: {  	s7 =	smul.u32 @!p0 $0xF7A, s2;
	p2 =	seq.s32 @!p0 s5, $0x0  }
0x1f: {  	s9 =	smul.u32 $0xF7A, s1;
	s8 =	simm.s32 @!p0 $0x1BF5;
	p2 =	por !p2, p0  }
0x20: {  	[sflag:s8] =	ssyncset.s32 @!p0 $0xFFFFF086;
	s6 =	sadd.s32 @!p0 s3, s7;
	s7 =	simm.s32 @!p0 $0x108  }
0x21: {  	s3 =	sadd.s32 s3, s9;
	s6 =	sadd.s32 @!p0 $0x88, s6;
	s7 =	simm.s32 @p2 $0x1082  }
0x22: {  	[simem:s7], [sflag:s8] =	dma.local @!p0 [hbm:s6], $0xF7A  }
0x23: {  	s9 =	sor.u32 $0xD0000000, s2;
	s6 =	simm.s32 $0x108;
	_ =	swait.ge @!p0 [sflag:s8], $0x0  }
0x24: {  	s3 =	sadd.s32 $0x88, s3;
	s6 =	simm.s32 @!p1 $0x1082;
	[sflag:s4] =	ssyncset.s32 $0xFFFFF086  }
0x25: {  	[simem:s6], [sflag:s4] =	dma.local [hbm:s3], $0xF7A  }
0x26: {  	[smem:$0x3F9B] =	sst s1;
	(tag) =	ssettag s2;
	_ =	strace s9  }
0x27: {  	s1 =	sld [smem:$0x3FAB]  }
0x28: {  	s2 =	sld [smem:$0x3FAC]  }
0x29: {  	s4 =	sld [smem:$0x3FAE]  }
0x2a: {  	p0 =	seq.s32 s5, $0x0;
	s5 =	sld [smem:$0x3FAF]  }
0x2b: {  	s6 =	sld [smem:$0x3FB0]  }
0x2c: {  	s7 =	sld [smem:$0x3FB1]  }
0x2d: {  	s3 =	simm.s32 $0x108;
	s8 =	sld [smem:$0x3FB2]  }
0x2e: {  	s3 =	simm.s32 @!p0 $0x1082;
	s9 =	sld [smem:$0x3FB3]  }
0x2f: {  	lr =	sadd.s32 s0, s3;
	s0 =	sld [smem:$0x3FAA]  }
0x30: {  	s3 =	sld [smem:$0x3FAD]  }
0x31: {  	[smem:$0x3FB6] =	sst s10  }
0x32: {  	s10 =	sld [smem:$0x3FB4];
	_ =	sdelay $0x3  }
0x33: {  	p0 =	seq.s32 s10, $0x1;
	s10 =	sld [smem:$0x3FB6];
	_ =	sdelay $0x3  }
0x34: {  	[smem:$0x3FB6] =	sst s10  }
0x35: {  	s10 =	sld [smem:$0x3FB5];
	_ =	sdelay $0x3  }
0x36: {  	p1 =	seq.s32 s10, $0x1;
	s10 =	sld [smem:$0x3FB6];
	_ =	sdelay $0x3  }
0x37: {  	[smem:$0x3FB6] =	sst s10  }
0x38: {  	s10 =	sld [smem:$0x3FB7]  }
0x39: {  	_ = 	snop;
	(pc) =	sbr.ind lr, $3  }
0x3a: {  	_ = 	snop  }
0x3b: {  	_ = 	snop  }
0x3c: {  	p2 =	seq.s32 s10, $0x1;
	s10 =	sld [smem:$0x3FB6]  }
0x3d: {  	_ =	shalt  }
0x3e: {  	_ =	shalt  }
0x3f: {  	_ =	shalt  }
0x40: {  	_ =	shalt  }
0x41: {  	_ =	shalt  }
0x42: {  	_ =	shalt  }
0x43: {  	_ =	shalt  }
0x44: {  	_ =	shalt  }
0x45: {  	_ =	shalt  }
0x46: {  	_ =	shalt  }
0x47: {  	_ =	shalt  }
0x48: {  	_ =	shalt  }
0x49: {  	_ =	shalt  }
0x4a: {  	_ =	shalt  }
0x4b: {  	_ =	shalt  }
0x4c: {  	_ =	shalt  }
0x4d: {  	_ =	shalt  }
0x4e: {  	_ =	shalt  }
0x4f: {  	_ =	shalt  }
0x50: {  	_ =	shalt  }
0x51: {  	_ =	shalt  }
0x52: {  	_ =	shalt  }
0x53: {  	_ =	shalt  }
0x54: {  	_ =	shalt  }
0x55: {  	_ =	shalt  }
0x56: {  	_ =	shalt  }
0x57: {  	_ =	shalt  }
0x58: {  	_ =	shalt  }
0x59: {  	_ =	shalt  }
0x5a: {  	_ =	shalt  }
0x5b: {  	_ =	shalt  }
0x5c: {  	_ =	shalt  }
0x5d: {  	_ =	shalt  }
0x5e: {  	_ =	shalt  }
0x5f: {  	_ =	shalt  }
0x60: {  	_ =	shalt  }
0x61: {  	_ =	shalt  }
0x62: {  	_ =	shalt  }
0x63: {  	_ =	shalt  }
0x64: {  	_ =	shalt  }
0x65: {  	_ =	shalt  }
0x66: {  	_ =	shalt  }
0x67: {  	_ =	shalt  }
0x68: {  	_ =	shalt  }
0x69: {  	_ =	shalt  }
0x6a: {  	_ =	shalt  }
0x6b: {  	_ =	shalt  }
0x6c: {  	_ =	shalt  }
0x6d: {  	_ =	shalt  }
0x6e: {  	_ =	shalt  }
0x6f: {  	_ =	shalt  }
0x70: {  	_ =	shalt  }
0x71: {  	_ =	shalt  }
0x72: {  	_ =	shalt  }
0x73: {  	_ =	shalt  }
0x74: {  	_ =	shalt  }
0x75: {  	_ =	shalt  }
0x76: {  	_ =	shalt  }
0x77: {  	_ =	shalt  }
0x78: {  	_ =	shalt  }
0x79: {  	_ =	shalt  }
0x7a: {  	_ =	shalt  }
0x7b: {  	_ =	shalt  }
0x7c: {  	_ =	shalt  }
0x7d: {  	_ =	shalt  }
0x7e: {  	_ =	shalt  }
0x7f: {  	_ =	shalt  }
0x80: {  	_ =	shalt  }
0x81: {  	_ =	shalt  }
0x82: {  	_ =	shalt  }
0x83: {  	_ =	shalt  }
0x84: {  	_ =	shalt  }
0x85: {  	_ =	shalt  }
0x86: {  	_ =	shalt  }
0x87: {  	_ =	shalt  }
.Lfunc_end0:
.L_simem_size_0:
called_computation_lowered:
.L_overlay_start_0:
0x88: {  	s2 =	sld [smem:$0x3FD9]  }
0x89: {  	s3 =	sld [smem:$0x3FFE];
	_ =	sdelay $0x1  }
0x8a: {  	s1 =	srdreg.scid  }
0x8b: {  	s0 =	sand.u32 $0x1, s1  }
0x8c: {  	s17 =	sshll.u32 s0, $0xA;
	s2 =	sadd.s32 s3, s2  }
0x8d: {  	s2 =	sadd.s32 s2, s17  }
0x8e: {  	[smem:$0x3FC2] =	sst s2  }
0x8f: {  	_ = 	snop  }
0x90: {  	s2 =	sld [smem:$0x3FC8]  }
0x91: {  	s18 =	sld [smem:$0x3FD0];
	(tm) =	ssettm $0x1  }
0x92: {  	s4 =	sld [smem:$0x3FFB];
	_ =	sdelay $0x3  }
0x93: {  	_ =	strace s4  }
0x94: {  	s4 =	sld [smem:$0x3FFC];
	_ =	sdelay $0x3  }
0x95: {  	_ =	strace s4  }
0x96: {  	s4 =	sld [smem:$0x3FFD];
	_ =	sdelay $0x3  }
0x97: {  	_ =	strace s4  }
0x98: {  	_ =	strace $0x8FFFFFFF  }
0x99: {  	s19 =	sld [smem:$0x3FDB];
	_ =	sdelay $0x1  }
0x9a: {  	s5 =	simm.s32 $_scs_section_size  }
0x9b: {  	s6 =	simm.s32 $_size__tile_overlayer_lowered;
	s7 =	simm.s32 $_tile_overlayer_lowered  }
0x9c: {  	s22 =	simm.s32 $0x1BFF;
	s21 =	sshll.u32 s7, $0x1;
	s4 =	sadd.s32 s5, s19  }
0x9d: {  	s8 =	simm.s32 $0x0;
	s20 =	sshll.u32 s6, $0x1;
	s6 =	sadd.s32 s21, s4  }
0x9e: {  	[timem:s8], [sflag:s22] =	dma.local [hbm:s6], s20  }
0x9f: {  	_ =	swait.ge [sflag:s22], s20  }
0xa0: {  	s5 =	ssub.s32 $0x0, s20;
	[sflag:s22] =	ssyncset.done $0x0  }
0xa1: {  	[sflag:s22] =	ssyncadd.s32 s5;
	_ =	sdelay $0x1  }
0xa2: {  	s23 =	simm.s32 $0x1B8B  }
0xa3: {  	_ =	swait.ge [sflag:s23], $0x1  }
0xa4: {  	[sflag:s23] =	ssyncset.done $0x0  }
0xa5: {  	s25 =	simm.s32 $0x1B8E;
	s24 =	sld [smem:$0x3FFE];
	[sflag:s23] =	ssyncadd.s32 $0xFFFFFFFF  }
0xa6: {  	s26 =	simm.s32 $execute0_lowered;
	[smem:$0x3FD2] =	sst s25  }
0xa7: {  	s6 =	sshll.u32 s26, $0x1;
	_ =	strace $0x80000046;
	[dreg:$0x1] =	wrdreg $0xFFFFFFFF  }
0xa8: {  	s28 =	simm.s32 $_size_execute0_lowered;
	s4 =	sadd.s32 s4, s6;
	[dreg:$0x0] =	wrdreg $0x0  }
0xa9: {  	s6 =	sshll.u32 s28, $0x1;
	[dreg:$0x2] =	wrdreg s4  }
0xaa: {  	[dreg:$0x3] =	wrdreg s6  }
0xab: {  	[dreg:$0x4] =	wrdreg $0xC0  }
0xac: {  	_ =	task [dreg:s8], $0x5FFFF  }
0xad: {  	[dreg:$0x1] =	wrdreg $0xFFFFFFFF  }
0xae: {  	[dreg:$0x0] =	wrdreg $0x60  }
0xaf: {  	[dreg:$0x2] =	wrdreg s18  }
0xb0: {  	[dreg:$0x3] =	wrdreg s2  }
0xb1: {  	[dreg:$0x4] =	wrdreg s24  }
0xb2: {  	[dreg:$0x5] =	wrdreg $0x9  }
0xb3: {  	_ =	task.clear_ibuf [dreg:s8], $0x6FFFF;
	_ =	strace $0x90000046  }
0xb4: {  	s29 =	simm.s32 $0x9;
	_ =	strace $0x80000048  }
0xb5: {  	_ =	swait.ge [sflag:s29], $0x1  }
0xb6: {  	[sflag:s29] =	ssyncadd.s32 $0xFFFFFFFF  }
0xb7: {  	_ =	strace $0x90000048  }
0xb8: {  	_ =	sfence  }
0xb9: {  	s30 =	sld [smem:$0x0];
	_ =	sdelay $0x2  }
0xba: {  	s31 =	sshll.u32 s1, $0xD;
	s1 =	sshrl.u32 s1, $0x2  }
0xbb: {  	s3 =	sand.u32 $0x4000, s31;
	s1 =	sadd.s32 s1, s30  }
0xbc: {  	s0 =	sor.u32 s3, s0;
	s1 =	sshll.u32 s1, $0x11  }
0xbd: {  	s0 =	sor.u32 s1, s0  }
0xbe: {  	s0 =	sadd.s32 $0x8F2B, s0  }
0xbf: {  	[sflag:s0] =	ssyncadd.remote.s32 $0x1  }
0xc0: {  	_ =	sfence.sel $0xFFFF  }
0xc1: {  	[dreg:$0x0] =	wrdreg $0xFFFFFFFF;
	(pc) =	sbr.abs _section_cstart, $3  }
0xc2: {  	[dreg:$0x1] =	wrdreg $0xFFFFFFFF  }
0xc3: {  	_ =	task.clear_ibuf [dreg:s8], $0x2FFFF;
	_ =	strace $0x9FFFFFFF  }
0xc4: {  	(tm) =	ssettm $0x7FFFFFFF  }
0xc5: {  	_ =	shalt  }
tec
execute0_lowered:
.L_overlay_start_1:
0x0: {  	(tag) =	ssettag $0x1  }
0x1: {  	s4 =	rddreg [dreg:$0x0];
	s1 =	srdreg.scid  }
0x2: {  	s2 =	rddreg [dreg:$0x1];
	s0 =	stileid.u32;
	s10 =	sand.u32 $0x1, s1  }
0x3: {  	s11 =	rddreg [dreg:$0x2];
	s5 =	sshll.u32 s0, $0x9;
	s6 =	sshll.u32 s10, $0x8  }
0x4: {  	s3 =	simm.s32 $0x0;
	s1 =	rddreg [dreg:$0x3];
	s12 =	sor.u32 s6, s5  }
0x5: {  	[smem:$0x7FF] =	sst s3;
	s5 =	sshrl.u32 s12, $0x3  }
0x6: {  	_ =	strace $0x80000047;
	s5 =	sadd.s32 s4, s5;
	s4 =	simm.s32 $0x2  }
0x7: {  	[tilespmem:s3], [sflag:$0x2] =	stream.linear.gather [hbm4b:s5+s3], $0x100, $0x38;
	[tilespmem:$0x8100] =	vst v63  }
0x8: {  	_ =	swait.ge [sflag:s4], $0x100  }
0x9: {  	[sflag:s4] =	ssyncset.done $0x0  }
0xa: {  	s7 =	simm.s32 $0x100;
	s6 =	simm.s32 $0x80;
	[sflag:s4] =	ssyncadd.s32 $0xFFFFFF00  }
0xb: {  	[tilespmem:s7], [sflag:$0x1] =	stream.indirect.gather [hbm4b:s2+s6], $0x80, s3, s6, $0xb8;
	[tilespmem:$0x8100] =	vst v63  }
0xc: {  	s8 =	simm.s32 $0x4100;
	s9 =	simm.s32 $0x1;
	s10 =	ssub.s32 $0x2, s10  }
0xd: {  	[tilespmem:s8], [sflag:$0x1] =	stream.indirect.gather [hbm4b:s2+s6], $0x80, s6, s6, $0xb8;
	[tilespmem:$0x8100] =	vst v63  }
0xe: {  	s13 =	sshrl.u32 s10, $0x1;
	_ =	swait.ge [sflag:s9], $0x4000  }
0xf: {  	s30 =	ssub.s32 s10, s13;
	[sflag:s9] =	ssyncset.done $0x0  }
0x10: {  	s31 =	smax.u32 s30, $0x1;
	[sflag:s9] =	ssyncadd.s32 $0xFFFFC000  }
0x11: {  	s12 =	sshll.u32 s12, $0x4;
	p0 =	sne.s32 s31, $0x1;
	_ =	swait.ge [sflag:s9], $0x4000  }
.Ltmp0:
0x12: {  	s11 =	sadd.s32 s12, s11;
	[sflag:s9] =	ssyncset.done $0x0;
	(pc) =	sbr.rel @!p0 .LBB2_2-.Ltmp0, $4  }
0x13: {  	s10 =	sadd.s32 $0x1000, s11;
	[sflag:s9] =	ssyncadd.s32 $0xFFFFC000  }
0x14: {  	[hbm4b:s10+s3] =	stream.linear.scatter [tilespmem:s7], [sflag:$0x2], $0x8000, $0x38;
	[tilespmem:$0x8100] =	vst v63  }
0x15: {  	_ =	swait.ge [sflag:s4], $0x8000  }
0x16: {  	s11 =	sadd.s32 $0xFFFFFFFF, s31;
	[sflag:s4] =	ssyncset.done $0x0  }
.LBB2_1:
0x17: {  	p0 =	sne.s32 s11, $0x1;
	s11 =	sadd.s32 $0xFFFFFFFF, s11;
	[sflag:s4] =	ssyncadd.s32 $0xFFFF8000  }
0x18: {  	[tilespmem:s3], [sflag:$0x2] =	stream.linear.gather [hbm4b:s5+s3], $0x100, $0x38;
	[tilespmem:$0x8100] =	vst v63  }
0x19: {  	_ =	swait.ge [sflag:s4], $0x100  }
0x1a: {  	[sflag:s4] =	ssyncset.done $0x0  }
0x1b: {  	[sflag:s4] =	ssyncadd.s32 $0xFFFFFF00  }
0x1c: {  	[tilespmem:s7], [sflag:$0x1] =	stream.indirect.gather [hbm4b:s2+s6], $0x80, s3, s6, $0xb8;
	[tilespmem:$0x8100] =	vst v63  }
0x1d: {  	_ = 	snop  }
0x1e: {  	[tilespmem:s8], [sflag:$0x1] =	stream.indirect.gather [hbm4b:s2+s6], $0x80, s6, s6, $0xb8;
	[tilespmem:$0x8100] =	vst v63  }
0x1f: {  	_ =	swait.ge [sflag:s9], $0x4000  }
0x20: {  	[sflag:s9] =	ssyncset.done $0x0  }
0x21: {  	[sflag:s9] =	ssyncadd.s32 $0xFFFFC000  }
0x22: {  	_ =	swait.ge [sflag:s9], $0x4000  }
.Ltmp1:
0x23: {  	[sflag:s9] =	ssyncset.done $0x0;
	(pc) =	sbr.rel @p0 .LBB2_1-.Ltmp1, $4  }
0x24: {  	[sflag:s9] =	ssyncadd.s32 $0xFFFFC000  }
0x25: {  	[hbm4b:s10+s3] =	stream.linear.scatter [tilespmem:s7], [sflag:$0x2], $0x8000, $0x38;
	[tilespmem:$0x8100] =	vst v63  }
0x26: {  	_ =	swait.ge [sflag:s4], $0x8000  }
0x27: {  	[sflag:s4] =	ssyncset.done $0x0  }
.LBB2_2:
0x28: {  	[sflag:s4] =	ssyncadd.s32 $0xFFFF8000  }
0x29: {  	_ =	sfence.sel $0x180000  }
0x2a: {  	[bflag:$0x0] =	sbarrier.arrive $0xFFFF  }
0x2b: {  	p0 =	sne.s32 s0, $0x0;
	_ =	strace $0x90000047  }
0x2c: {  	s0 =	sadd.s32 @!p0 $0x100000, s1;
	[bflag:$0x2] =	sbarrier.arrive $0xFFFF  }
0x2d: {  	[sflag:s0] =	ssyncadd.tile.s32 @!p0 $0x1;
	_ =	shalt  }
.Lfunc_end2:
_tile_overlayer_lowered:
.L_overlay_start_2:
0x2e: {  	(tag) =	ssettag $0x2  }
0x2f: {  	s0 =	rddreg [dreg:$0x0];
	s2 =	stileid.u32  }
0x30: {  	s1 =	rddreg [dreg:$0x1];
	p0 =	sne.s32 s2, $0x0  }
0x31: {  	s3 =	rddreg [dreg:$0x2];
	[bflag:$0x3] =	sbarrier.arrive $0xFFFF;
	s2 =	simm.s32 @!p0 $0x1C02  }
0x32: {  	[timem:s3], [sflag:s2] =	dma.local @!p0 [hbm:s0], s1  }
0x33: {  	s0 =	simm.s32 @!p0 $0x2  }
0x34: {  	_ =	swait.ge @!p0 [sflag:s0], s1  }
0x35: {  	s1 =	ssub.s32 @!p0 $0x0, s1;
	[sflag:s0] =	ssyncset.done @!p0 $0x0  }
0x36: {  	[sflag:s0] =	ssyncadd.s32 @!p0 s1  }
0x37: {  	[bflag:$0x3] =	sbarrier.arrive $0xFFFF  }
0x38: {  	_ =	shalt  }

</sc_bundles>
